<compile_context>
chip_gen: v7x
topology: tpu7x:2x2x1
jax: 0.10.2.dev20260603
libtpu: 0.0.44.dev20260713+nightly
codegen_flags: <defaults>
</compile_context>

<pallas_src>
import jax
import jax.numpy as jnp
from jax import lax
from jax.experimental import pallas as pl
from jax.experimental.pallas import tpu as pltpu
from jax.experimental.pallas import tpu_sc as plsc

NUM_EMB = 1_000_000
DIM = 32

NC = 2
NS = 16
NW = NC * NS

B = 16384
T = 50
BPW = B // NW
NBLK = BPW // 128


def _body(idx_hbm, table_hbm, out_hbm, idx_v, g_v, gp_v, tb_v, gsem, rsem, osem):
    wid = lax.axis_index("s") * NC + lax.axis_index("c")
    b0 = wid * BPW

    pltpu.sync_copy(idx_hbm.at[:, pl.ds(b0, BPW)], idx_v)

    iota16 = lax.iota(jnp.int32, 16)
    iota33 = iota16 * (DIM + 1)

    def unit(t, carry):
        copies = []
        for jb in range(NBLK):
            copies.append(
                pltpu.async_copy(
                    table_hbm.at[idx_v.at[t, pl.ds(jb * 128, 128)]],
                    g_v.at[jb],
                    gsem,
                )
            )
        ocopies = []
        for jb in range(NBLK):
            copies[jb].wait()
            @plsc.parallel_loop(0, 128, unroll=8)
            def _relayout(bl):
                src = g_v.at[jb]
                dst0 = bl * (DIM + 1)
                gp_v[jb, pl.ds(dst0, 16)] = src[bl, pl.ds(0, 16)]
                gp_v[jb, pl.ds(dst0 + 16, 16)] = src[bl, pl.ds(16, 16)]

            @plsc.parallel_loop(0, DIM * 8, unroll=16)
            def _transpose(i):
                c = i >> 3
                blk = i & 7
                idx = iota33 + ((blk << 4) * (DIM + 1) + c)
                off = ((c >> 3) << 10) + ((c & 7) << 7) + (blk << 4)
                tb_v[jb, pl.ds(off, 16)] = plsc.load_gather(
                    gp_v.at[jb], [idx]
                )

            bblk = wid * NBLK + jb
            for tr in range(4):
                ocopies.append(
                    pltpu.async_copy(
                        tb_v.at[jb, pl.ds(tr * 1024, 1024)],
                        out_hbm.at[t, tr, bblk],
                        osem,
                    )
                )
        for oc in ocopies:
            oc.wait()
        return carry

    lax.fori_loop(0, T, unit, 0, unroll=False)


def kernel(token_ids, weight):
    w_lin = lax.optimization_barrier(weight.reshape(-1))
    w_row = w_lin.reshape(NUM_EMB, DIM)
    idx_t = token_ids.T

    mesh = plsc.VectorSubcoreMesh(core_axis_name="c", subcore_axis_name="s")
    fn = pl.kernel(
        _body,
        mesh=mesh,
        out_type=jax.ShapeDtypeStruct((T, 4, B // 128, 1024), jnp.float32),
        scratch_types=[
            pltpu.VMEM((T, BPW), jnp.int32),
            pltpu.VMEM((NBLK, 128, DIM), jnp.float32),
            pltpu.VMEM((NBLK, 128 * (DIM + 1)), jnp.float32),
            pltpu.VMEM((NBLK, 4096), jnp.float32),
            pltpu.SemaphoreType.DMA,
            pltpu.SemaphoreType.DMA,
            pltpu.SemaphoreType.DMA,
        ],
        compiler_params=pltpu.CompilerParams(
            use_tc_tiling_on_sc=False,
            needs_layout_passes=False,
            disable_bounds_checks=True,
        ),
    )
    out4 = fn(idx_t, w_row)
    out5 = out4.reshape(T, 4, B // 128, 8, 128)
    return out5.transpose((2, 4, 0, 1, 3)).reshape(B, T, DIM)

# --- scband reference (transcript-rebuilt; emitter-appended) ---
"""Pipeline reference for scband-embedding-67327907332317 (READ-ONLY COPY).

The authoritative reference and input builder live on the scoring server;
editing this copy changes nothing except your own understanding.
"""

import jax, jax.numpy as jnp
import numpy as np

NUM_EMBEDDINGS = 1000000
EMBEDDING_DIM = 32


def setup_inputs(seed: int = 0) -> dict:
    key = jax.random.key(seed)
    k_idx, k_w = jax.random.split(key)
    token_ids = jax.random.randint(k_idx, (16384, 50), 0, NUM_EMBEDDINGS, dtype=jnp.int64 if jax.config.jax_enable_x64 else jnp.int32)
    # trunc_normal_(mean=0, std=1, a=-3, b=3)
    weight = jax.random.truncated_normal(k_w, -3.0, 3.0, (NUM_EMBEDDINGS, EMBEDDING_DIM), dtype=jnp.float32)
    return {"token_ids": token_ids, "weight": weight}


def reference(token_ids, weight):
    # Faithful translation of: return self.weight[token_ids]
    return jnp.take(weight, token_ids, axis=0)

if __name__ == "__main__":
    import jax
    _d = setup_inputs()
    print(jax.jit(kernel)(*tuple(_d.values())))

</pallas_src>

<mosaic_0001>
#map = affine_map<(d0, d1) -> (0, 0)>
#map1 = affine_map<(d0, d1) -> (0, 0, 0, 0)>
module attributes {stable_mosaic.version = 14 : i64} {
  func.func @_body(%arg0: i32, %arg1: i32, %arg2: memref<50x16384xi32, #tpu.memory_space<hbm>>, %arg3: memref<1000000x32xf32, #tpu.memory_space<hbm>>, %arg4: memref<50x4x128x1024xf32, #tpu.memory_space<hbm>>, %arg5: memref<50x512xi32, #tpu.memory_space<vmem>>, %arg6: memref<4x128x32xf32, #tpu.memory_space<vmem>>, %arg7: memref<4x4224xf32, #tpu.memory_space<vmem>>, %arg8: memref<4x4096xf32, #tpu.memory_space<vmem>>, %arg9: memref<!tpu.dma_semaphore, #tpu.memory_space<semaphore_mem>>, %arg10: memref<!tpu.dma_semaphore, #tpu.memory_space<semaphore_mem>>, %arg11: memref<!tpu.dma_semaphore, #tpu.memory_space<semaphore_mem>>) attributes {dimension_semantics = [#tpu.dimension_semantics<core_parallel>, #tpu.dimension_semantics<subcore_parallel>], iteration_bounds = array<i64: 2, 16>, scalar_prefetch = 0 : i64, scratch_operands = 7 : i64, tpu.core_type = #tpu.core_type<sc_vector_subcore>, window_params = [{transform_indices = #map}, {transform_indices = #map}, {transform_indices = #map1}]} {
    %mul3A = arith.constant 2 : i32
    %mul3A_0 = arith.muli %arg1, %mul3A : i32
    %add3A = arith.addi %mul3A_0, %arg0 : i32
    %mul3A_1 = arith.constant 512 : i32
    %mul3A_2 = arith.muli %add3A, %mul3A_1 : i32
    "tpu.region"() ({
      %run_scoped3A = tpu.sem_alloc : memref<!tpu.dma_semaphore, #tpu.memory_space<semaphore_mem>>
      %dma_start3A = arith.constant 0 : i32
      %dma_start3A_11 = tpu.memref_slice %arg2[%dma_start3A, %mul3A_2] : memref<50x16384xi32, #tpu.memory_space<hbm>> -> memref<50x512xi32, #tpu.memory_space<hbm>>
      %dma_start3A_12 = arith.constant 0 : i32
      %dma_start3A_13 = tpu.memref_slice %arg2[%dma_start3A_12, %mul3A_2] : memref<50x16384xi32, #tpu.memory_space<hbm>> -> memref<50x512xi32, #tpu.memory_space<hbm>>
      tpu.enqueue_dma source(%dma_start3A_13 : memref<50x512xi32, #tpu.memory_space<hbm>>) target(%arg5 : memref<50x512xi32, #tpu.memory_space<vmem>>) target_semaphore(%run_scoped3A : memref<!tpu.dma_semaphore, #tpu.memory_space<semaphore_mem>>)
      %dma_wait3A = arith.constant 0 : i32
      %dma_wait3A_14 = tpu.memref_slice %arg2[%dma_wait3A, %mul3A_2] : memref<50x16384xi32, #tpu.memory_space<hbm>> -> memref<50x512xi32, #tpu.memory_space<hbm>>
      %dma_wait3A_15 = arith.constant 0 : i32
      %dma_wait3A_16 = tpu.memref_slice %arg2[%dma_wait3A_15, %mul3A_2] : memref<50x16384xi32, #tpu.memory_space<hbm>> -> memref<50x512xi32, #tpu.memory_space<hbm>>
      tpu.wait_dma2 semaphore(%run_scoped3A : memref<!tpu.dma_semaphore, #tpu.memory_space<semaphore_mem>>) src(%dma_wait3A_16 : memref<50x512xi32, #tpu.memory_space<hbm>>) dst(%arg5 : memref<50x512xi32, #tpu.memory_space<vmem>>)
      tpu.yield
    }) : () -> ()
    %iota3A = tpu.iota {dimensions = array<i32: 0>} : vector<16xi32>
    %mul3A_3 = arith.constant 33 : i32
    %mul3A_4 = vector.broadcast %mul3A_3 : i32 to vector<16xi32>
    %mul3A_5 = arith.muli %iota3A, %mul3A_4 : vector<16xi32>
    %scan3A = arith.constant 0 : i32
    %scan3A_6 = arith.constant 0 : i32
    %scan3A_7 = arith.constant 50 : i32
    %scan3A_8 = arith.addi %scan3A_6, %scan3A_7 : i32
    %scan3A_9 = arith.constant 1 : i32
    scf.for %scan3A_11 = %scan3A_6 to %scan3A_8 step %scan3A_9  : i32 {
      %dma_start3A = arith.constant 0 : i32
      %dma_start3A_12 = arith.constant 0 : i32
      %dma_start3A_13 = arith.constant 0 : i32
      %dma_start3A_14 = tpu.memref_slice %arg6[%dma_start3A, %dma_start3A_12, %dma_start3A_13] : memref<4x128x32xf32, #tpu.memory_space<vmem>> -> memref<1x128x32xf32, #tpu.memory_space<vmem>>
      %dma_start3A_15 = tpu.memref_squeeze %dma_start3A_14 : memref<1x128x32xf32, #tpu.memory_space<vmem>> -> memref<128x32xf32, #tpu.memory_space<vmem>>
      %dma_start3A_16 = arith.constant 0 : i32
      %dma_start3A_17 = tpu.memref_slice %arg5[%scan3A_11, %dma_start3A_16] : memref<50x512xi32, #tpu.memory_space<vmem>> -> memref<1x128xi32, #tpu.memory_space<vmem>>
      %dma_start3A_18 = tpu.memref_squeeze %dma_start3A_17 : memref<1x128xi32, #tpu.memory_space<vmem>> -> memref<128xi32, #tpu.memory_space<vmem>>
      %dma_start3A_19 = arith.constant 0 : i32
      %dma_start3A_20 = arith.constant 0 : i32
      %dma_start3A_21 = tpu.memref_slice %arg3[%dma_start3A_19, %dma_start3A_20] : memref<1000000x32xf32, #tpu.memory_space<hbm>> -> memref<1000000x32xf32, #tpu.memory_space<hbm>>
      tpu.enqueue_indirect_dma source(%dma_start3A_21 : memref<1000000x32xf32, #tpu.memory_space<hbm>>) target(%dma_start3A_15 : memref<128x32xf32, #tpu.memory_space<vmem>>) offsets(%dma_start3A_18 : memref<128xi32, #tpu.memory_space<vmem>>) semaphore(%arg9 : memref<!tpu.dma_semaphore, #tpu.memory_space<semaphore_mem>>)
      %dma_start3A_22 = arith.constant 1 : i32
      %dma_start3A_23 = arith.constant 0 : i32
      %dma_start3A_24 = arith.constant 0 : i32
      %dma_start3A_25 = tpu.memref_slice %arg6[%dma_start3A_22, %dma_start3A_23, %dma_start3A_24] : memref<4x128x32xf32, #tpu.memory_space<vmem>> -> memref<1x128x32xf32, #tpu.memory_space<vmem>>
      %dma_start3A_26 = tpu.memref_squeeze %dma_start3A_25 : memref<1x128x32xf32, #tpu.memory_space<vmem>> -> memref<128x32xf32, #tpu.memory_space<vmem>>
      %dma_start3A_27 = arith.constant 128 : i32
      %dma_start3A_28 = tpu.memref_slice %arg5[%scan3A_11, %dma_start3A_27] : memref<50x512xi32, #tpu.memory_space<vmem>> -> memref<1x128xi32, #tpu.memory_space<vmem>>
      %dma_start3A_29 = tpu.memref_squeeze %dma_start3A_28 : memref<1x128xi32, #tpu.memory_space<vmem>> -> memref<128xi32, #tpu.memory_space<vmem>>
      %dma_start3A_30 = arith.constant 0 : i32
      %dma_start3A_31 = arith.constant 0 : i32
      %dma_start3A_32 = tpu.memref_slice %arg3[%dma_start3A_30, %dma_start3A_31] : memref<1000000x32xf32, #tpu.memory_space<hbm>> -> memref<1000000x32xf32, #tpu.memory_space<hbm>>
      tpu.enqueue_indirect_dma source(%dma_start3A_32 : memref<1000000x32xf32, #tpu.memory_space<hbm>>) target(%dma_start3A_26 : memref<128x32xf32, #tpu.memory_space<vmem>>) offsets(%dma_start3A_29 : memref<128xi32, #tpu.memory_space<vmem>>) semaphore(%arg9 : memref<!tpu.dma_semaphore, #tpu.memory_space<semaphore_mem>>)
      %dma_start3A_33 = arith.constant 2 : i32
      %dma_start3A_34 = arith.constant 0 : i32
      %dma_start3A_35 = arith.constant 0 : i32
      %dma_start3A_36 = tpu.memref_slice %arg6[%dma_start3A_33, %dma_start3A_34, %dma_start3A_35] : memref<4x128x32xf32, #tpu.memory_space<vmem>> -> memref<1x128x32xf32, #tpu.memory_space<vmem>>
      %dma_start3A_37 = tpu.memref_squeeze %dma_start3A_36 : memref<1x128x32xf32, #tpu.memory_space<vmem>> -> memref<128x32xf32, #tpu.memory_space<vmem>>
      %dma_start3A_38 = arith.constant 256 : i32
      %dma_start3A_39 = tpu.memref_slice %arg5[%scan3A_11, %dma_start3A_38] : memref<50x512xi32, #tpu.memory_space<vmem>> -> memref<1x128xi32, #tpu.memory_space<vmem>>
      %dma_start3A_40 = tpu.memref_squeeze %dma_start3A_39 : memref<1x128xi32, #tpu.memory_space<vmem>> -> memref<128xi32, #tpu.memory_space<vmem>>
      %dma_start3A_41 = arith.constant 0 : i32
      %dma_start3A_42 = arith.constant 0 : i32
      %dma_start3A_43 = tpu.memref_slice %arg3[%dma_start3A_41, %dma_start3A_42] : memref<1000000x32xf32, #tpu.memory_space<hbm>> -> memref<1000000x32xf32, #tpu.memory_space<hbm>>
      tpu.enqueue_indirect_dma source(%dma_start3A_43 : memref<1000000x32xf32, #tpu.memory_space<hbm>>) target(%dma_start3A_37 : memref<128x32xf32, #tpu.memory_space<vmem>>) offsets(%dma_start3A_40 : memref<128xi32, #tpu.memory_space<vmem>>) semaphore(%arg9 : memref<!tpu.dma_semaphore, #tpu.memory_space<semaphore_mem>>)
      %dma_start3A_44 = arith.constant 3 : i32
      %dma_start3A_45 = arith.constant 0 : i32
      %dma_start3A_46 = arith.constant 0 : i32
      %dma_start3A_47 = tpu.memref_slice %arg6[%dma_start3A_44, %dma_start3A_45, %dma_start3A_46] : memref<4x128x32xf32, #tpu.memory_space<vmem>> -> memref<1x128x32xf32, #tpu.memory_space<vmem>>
      %dma_start3A_48 = tpu.memref_squeeze %dma_start3A_47 : memref<1x128x32xf32, #tpu.memory_space<vmem>> -> memref<128x32xf32, #tpu.memory_space<vmem>>
      %dma_start3A_49 = arith.constant 384 : i32
      %dma_start3A_50 = tpu.memref_slice %arg5[%scan3A_11, %dma_start3A_49] : memref<50x512xi32, #tpu.memory_space<vmem>> -> memref<1x128xi32, #tpu.memory_space<vmem>>
      %dma_start3A_51 = tpu.memref_squeeze %dma_start3A_50 : memref<1x128xi32, #tpu.memory_space<vmem>> -> memref<128xi32, #tpu.memory_space<vmem>>
      %dma_start3A_52 = arith.constant 0 : i32
      %dma_start3A_53 = arith.constant 0 : i32
      %dma_start3A_54 = tpu.memref_slice %arg3[%dma_start3A_52, %dma_start3A_53] : memref<1000000x32xf32, #tpu.memory_space<hbm>> -> memref<1000000x32xf32, #tpu.memory_space<hbm>>
      tpu.enqueue_indirect_dma source(%dma_start3A_54 : memref<1000000x32xf32, #tpu.memory_space<hbm>>) target(%dma_start3A_48 : memref<128x32xf32, #tpu.memory_space<vmem>>) offsets(%dma_start3A_51 : memref<128xi32, #tpu.memory_space<vmem>>) semaphore(%arg9 : memref<!tpu.dma_semaphore, #tpu.memory_space<semaphore_mem>>)
      %dma_wait3A = arith.constant 0 : i32
      %dma_wait3A_55 = arith.constant 0 : i32
      %dma_wait3A_56 = arith.constant 0 : i32
      %dma_wait3A_57 = tpu.memref_slice %arg6[%dma_wait3A, %dma_wait3A_55, %dma_wait3A_56] : memref<4x128x32xf32, #tpu.memory_space<vmem>> -> memref<1x128x32xf32, #tpu.memory_space<vmem>>
      %dma_wait3A_58 = tpu.memref_squeeze %dma_wait3A_57 : memref<1x128x32xf32, #tpu.memory_space<vmem>> -> memref<128x32xf32, #tpu.memory_space<vmem>>
      %dma_wait3A_59 = arith.constant 0 : i32
      %dma_wait3A_60 = tpu.memref_slice %arg5[%scan3A_11, %dma_wait3A_59] : memref<50x512xi32, #tpu.memory_space<vmem>> -> memref<1x128xi32, #tpu.memory_space<vmem>>
      %dma_wait3A_61 = tpu.memref_squeeze %dma_wait3A_60 : memref<1x128xi32, #tpu.memory_space<vmem>> -> memref<128xi32, #tpu.memory_space<vmem>>
      %dma_wait3A_62 = arith.constant 0 : i32
      %dma_wait3A_63 = arith.constant 0 : i32
      %dma_wait3A_64 = tpu.memref_slice %arg3[%dma_wait3A_62, %dma_wait3A_63] : memref<1000000x32xf32, #tpu.memory_space<hbm>> -> memref<1000000x32xf32, #tpu.memory_space<hbm>>
      tpu.wait_indirect_dma semaphore(%arg9 : memref<!tpu.dma_semaphore, #tpu.memory_space<semaphore_mem>>) src(%dma_wait3A_64 : memref<1000000x32xf32, #tpu.memory_space<hbm>>) dst(%dma_wait3A_58 : memref<128x32xf32, #tpu.memory_space<vmem>>)
      %parallel_loop3A = arith.constant 0 : i32
      %parallel_loop3A_65 = arith.constant 128 : i32
      %parallel_loop3A_66 = arith.constant 1 : i32
      scf.for %parallel_loop3A_585 = %parallel_loop3A to %parallel_loop3A_65 step %parallel_loop3A_66  : i32 {
        %parallel_loop3A_586 = arith.constant 33 : i32
        %parallel_loop3A_587 = arith.muli %parallel_loop3A_585, %parallel_loop3A_586 : i32
        %parallel_loop3A_588 = arith.constant 0 : i32
        %parallel_loop3A_589 = arith.constant 0 : i32
        %parallel_loop3A_590 = arith.constant 0 : i32
        %parallel_loop3A_591 = tpu.memref_slice %arg6[%parallel_loop3A_588, %parallel_loop3A_589, %parallel_loop3A_590] : memref<4x128x32xf32, #tpu.memory_space<vmem>> -> memref<1x128x32xf32, #tpu.memory_space<vmem>>
        %parallel_loop3A_592 = tpu.memref_squeeze %parallel_loop3A_591 : memref<1x128x32xf32, #tpu.memory_space<vmem>> -> memref<128x32xf32, #tpu.memory_space<vmem>>
        %parallel_loop3A_593 = arith.index_cast %parallel_loop3A_585 : i32 to index
        %parallel_loop3A_594 = arith.constant 0 : index
        %parallel_loop3A_595 = tpu.vector_load %parallel_loop3A_592[%parallel_loop3A_593, %parallel_loop3A_594] {strides = array<i32>} : memref<128x32xf32, #tpu.memory_space<vmem>>, vector<16xf32>,
        %parallel_loop3A_596 = arith.constant 0 : i32
        %parallel_loop3A_597 = arith.index_cast %parallel_loop3A_596 : i32 to index
        %parallel_loop3A_598 = arith.index_cast %parallel_loop3A_587 : i32 to index
        %parallel_loop3A_599 = tpu.vector_load %arg7[%parallel_loop3A_597, %parallel_loop3A_598] {strides = array<i32>} : memref<4x4224xf32, #tpu.memory_space<vmem>>, vector<16xf32>,
        tpu.vector_store %arg7[%parallel_loop3A_597, %parallel_loop3A_598], %parallel_loop3A_595 {strides = array<i32>} : memref<4x4224xf32, #tpu.memory_space<vmem>>, vector<16xf32>,
        %parallel_loop3A_600 = arith.constant 0 : i32
        %parallel_loop3A_601 = arith.constant 0 : i32
        %parallel_loop3A_602 = arith.constant 0 : i32
        %parallel_loop3A_603 = tpu.memref_slice %arg6[%parallel_loop3A_600, %parallel_loop3A_601, %parallel_loop3A_602] : memref<4x128x32xf32, #tpu.memory_space<vmem>> -> memref<1x128x32xf32, #tpu.memory_space<vmem>>
        %parallel_loop3A_604 = tpu.memref_squeeze %parallel_loop3A_603 : memref<1x128x32xf32, #tpu.memory_space<vmem>> -> memref<128x32xf32, #tpu.memory_space<vmem>>
        %parallel_loop3A_605 = arith.index_cast %parallel_loop3A_585 : i32 to index
        %parallel_loop3A_606 = arith.constant 16 : index
        %parallel_loop3A_607 = tpu.vector_load %parallel_loop3A_604[%parallel_loop3A_605, %parallel_loop3A_606] {strides = array<i32>} : memref<128x32xf32, #tpu.memory_space<vmem>>, vector<16xf32>,
        %parallel_loop3A_608 = arith.constant 16 : i32
        %parallel_loop3A_609 = arith.addi %parallel_loop3A_587, %parallel_loop3A_608 : i32
        %parallel_loop3A_610 = arith.constant 0 : i32
        %parallel_loop3A_611 = arith.index_cast %parallel_loop3A_610 : i32 to index
        %parallel_loop3A_612 = arith.index_cast %parallel_loop3A_609 : i32 to index
        %parallel_loop3A_613 = tpu.vector_load %arg7[%parallel_loop3A_611, %parallel_loop3A_612] {strides = array<i32>} : memref<4x4224xf32, #tpu.memory_space<vmem>>, vector<16xf32>,
        tpu.vector_store %arg7[%parallel_loop3A_611, %parallel_loop3A_612], %parallel_loop3A_607 {strides = array<i32>} : memref<4x4224xf32, #tpu.memory_space<vmem>>, vector<16xf32>,
      } {sc.loop_unroll_factor = 8 : i64, sc.parallel_access}
      %parallel_loop3A_67 = arith.constant 0 : i32
      %parallel_loop3A_68 = arith.constant 256 : i32
      %parallel_loop3A_69 = arith.constant 1 : i32
      scf.for %parallel_loop3A_585 = %parallel_loop3A_67 to %parallel_loop3A_68 step %parallel_loop3A_69  : i32 {
        %parallel_loop3A_586 = arith.constant 3 : i32
        %parallel_loop3A_587 = arith.shrsi %parallel_loop3A_585, %parallel_loop3A_586 : i32
        %parallel_loop3A_588 = arith.constant 7 : i32
        %parallel_loop3A_589 = arith.andi %parallel_loop3A_585, %parallel_loop3A_588 : i32
        %parallel_loop3A_590 = arith.constant 4 : i32
        %parallel_loop3A_591 = arith.shli %parallel_loop3A_589, %parallel_loop3A_590 : i32
        %parallel_loop3A_592 = arith.constant 33 : i32
        %parallel_loop3A_593 = arith.muli %parallel_loop3A_591, %parallel_loop3A_592 : i32
        %parallel_loop3A_594 = arith.addi %parallel_loop3A_593, %parallel_loop3A_587 : i32
        %parallel_loop3A_595 = vector.broadcast %parallel_loop3A_594 : i32 to vector<16xi32>
        %parallel_loop3A_596 = arith.addi %mul3A_5, %parallel_loop3A_595 : vector<16xi32>
        %parallel_loop3A_597 = arith.constant 3 : i32
        %parallel_loop3A_598 = arith.shrsi %parallel_loop3A_587, %parallel_loop3A_597 : i32
        %parallel_loop3A_599 = arith.constant 10 : i32
        %parallel_loop3A_600 = arith.shli %parallel_loop3A_598, %parallel_loop3A_599 : i32
        %parallel_loop3A_601 = arith.constant 7 : i32
        %parallel_loop3A_602 = arith.andi %parallel_loop3A_587, %parallel_loop3A_601 : i32
        %parallel_loop3A_603 = arith.constant 7 : i32
        %parallel_loop3A_604 = arith.shli %parallel_loop3A_602, %parallel_loop3A_603 : i32
        %parallel_loop3A_605 = arith.addi %parallel_loop3A_600, %parallel_loop3A_604 : i32
        %parallel_loop3A_606 = arith.constant 4 : i32
        %parallel_loop3A_607 = arith.shli %parallel_loop3A_589, %parallel_loop3A_606 : i32
        %parallel_loop3A_608 = arith.addi %parallel_loop3A_605, %parallel_loop3A_607 : i32
        %parallel_loop3A_609 = arith.constant 0 : i32
        %parallel_loop3A_610 = arith.constant 0 : i32
        %parallel_loop3A_611 = tpu.memref_slice %arg7[%parallel_loop3A_609, %parallel_loop3A_610] : memref<4x4224xf32, #tpu.memory_space<vmem>> -> memref<1x4224xf32, #tpu.memory_space<vmem>>
        %parallel_loop3A_612 = tpu.memref_squeeze %parallel_loop3A_611 : memref<1x4224xf32, #tpu.memory_space<vmem>> -> memref<4224xf32, #tpu.memory_space<vmem>>
        %parallel_loop3A_613 = tpu.vector_load_idx %parallel_loop3A_612[%parallel_loop3A_596] : memref<4224xf32, #tpu.memory_space<vmem>>[vector<16xi32>], vector<16xf32>,
        %parallel_loop3A_614 = arith.constant 0 : i32
        %parallel_loop3A_615 = arith.index_cast %parallel_loop3A_614 : i32 to index
        %parallel_loop3A_616 = arith.index_cast %parallel_loop3A_608 : i32 to index
        %parallel_loop3A_617 = tpu.vector_load %arg8[%parallel_loop3A_615, %parallel_loop3A_616] {strides = array<i32>} : memref<4x4096xf32, #tpu.memory_space<vmem>>, vector<16xf32>,
        tpu.vector_store %arg8[%parallel_loop3A_615, %parallel_loop3A_616], %parallel_loop3A_613 {strides = array<i32>} : memref<4x4096xf32, #tpu.memory_space<vmem>>, vector<16xf32>,
      } {sc.loop_unroll_factor = 16 : i64, sc.parallel_access}
      %mul3A_70 = arith.constant 4 : i32
      %mul3A_71 = arith.muli %add3A, %mul3A_70 : i32
      %add3A_72 = arith.constant 0 : i32
      %add3A_73 = arith.addi %mul3A_71, %add3A_72 : i32
      %dma_start3A_74 = arith.constant 0 : i32
      %dma_start3A_75 = arith.constant 0 : i32
      %dma_start3A_76 = arith.constant 0 : i32
      %dma_start3A_77 = tpu.memref_slice %arg8[%dma_start3A_74, %dma_start3A_76] : memref<4x4096xf32, #tpu.memory_space<vmem>> -> memref<1x1024xf32, #tpu.memory_space<vmem>>
      %dma_start3A_78 = tpu.memref_squeeze %dma_start3A_77 : memref<1x1024xf32, #tpu.memory_space<vmem>> -> memref<1024xf32, #tpu.memory_space<vmem>>
      %dma_start3A_79 = arith.constant 0 : i32
      %dma_start3A_80 = tpu.memref_slice %arg4[%scan3A_11, %dma_start3A_75, %add3A_73, %dma_start3A_79] : memref<50x4x128x1024xf32, #tpu.memory_space<hbm>> -> memref<1x1x1x1024xf32, #tpu.memory_space<hbm>>
      %dma_start3A_81 = tpu.memref_squeeze %dma_start3A_80 : memref<1x1x1x1024xf32, #tpu.memory_space<hbm>> -> memref<1024xf32, #tpu.memory_space<hbm>>
      %dma_start3A_82 = arith.constant 0 : i32
      %dma_start3A_83 = tpu.memref_slice %arg4[%scan3A_11, %dma_start3A_75, %add3A_73, %dma_start3A_82] : memref<50x4x128x1024xf32, #tpu.memory_space<hbm>> -> memref<1x1x1x1024xf32, #tpu.memory_space<hbm>>
      %dma_start3A_84 = tpu.memref_squeeze %dma_start3A_83 : memref<1x1x1x1024xf32, #tpu.memory_space<hbm>> -> memref<1024xf32, #tpu.memory_space<hbm>>
      %dma_start3A_85 = arith.constant 0 : i32
      %dma_start3A_86 = tpu.memref_slice %arg8[%dma_start3A_74, %dma_start3A_85] : memref<4x4096xf32, #tpu.memory_space<vmem>> -> memref<1x1024xf32, #tpu.memory_space<vmem>>
      %dma_start3A_87 = tpu.memref_squeeze %dma_start3A_86 : memref<1x1024xf32, #tpu.memory_space<vmem>> -> memref<1024xf32, #tpu.memory_space<vmem>>
      tpu.enqueue_dma source(%dma_start3A_87 : memref<1024xf32, #tpu.memory_space<vmem>>) target(%dma_start3A_84 : memref<1024xf32, #tpu.memory_space<hbm>>) target_semaphore(%arg11 : memref<!tpu.dma_semaphore, #tpu.memory_space<semaphore_mem>>)
      %dma_start3A_88 = arith.constant 0 : i32
      %dma_start3A_89 = arith.constant 1 : i32
      %dma_start3A_90 = arith.constant 1024 : i32
      %dma_start3A_91 = tpu.memref_slice %arg8[%dma_start3A_88, %dma_start3A_90] : memref<4x4096xf32, #tpu.memory_space<vmem>> -> memref<1x1024xf32, #tpu.memory_space<vmem>>
      %dma_start3A_92 = tpu.memref_squeeze %dma_start3A_91 : memref<1x1024xf32, #tpu.memory_space<vmem>> -> memref<1024xf32, #tpu.memory_space<vmem>>
      %dma_start3A_93 = arith.constant 0 : i32
      %dma_start3A_94 = tpu.memref_slice %arg4[%scan3A_11, %dma_start3A_89, %add3A_73, %dma_start3A_93] : memref<50x4x128x1024xf32, #tpu.memory_space<hbm>> -> memref<1x1x1x1024xf32, #tpu.memory_space<hbm>>
      %dma_start3A_95 = tpu.memref_squeeze %dma_start3A_94 : memref<1x1x1x1024xf32, #tpu.memory_space<hbm>> -> memref<1024xf32, #tpu.memory_space<hbm>>
      %dma_start3A_96 = arith.constant 0 : i32
      %dma_start3A_97 = tpu.memref_slice %arg4[%scan3A_11, %dma_start3A_89, %add3A_73, %dma_start3A_96] : memref<50x4x128x1024xf32, #tpu.memory_space<hbm>> -> memref<1x1x1x1024xf32, #tpu.memory_space<hbm>>
      %dma_start3A_98 = tpu.memref_squeeze %dma_start3A_97 : memref<1x1x1x1024xf32, #tpu.memory_space<hbm>> -> memref<1024xf32, #tpu.memory_space<hbm>>
      %dma_start3A_99 = arith.constant 1024 : i32
      %dma_start3A_100 = tpu.memref_slice %arg8[%dma_start3A_88, %dma_start3A_99] : memref<4x4096xf32, #tpu.memory_space<vmem>> -> memref<1x1024xf32, #tpu.memory_space<vmem>>
      %dma_start3A_101 = tpu.memref_squeeze %dma_start3A_100 : memref<1x1024xf32, #tpu.memory_space<vmem>> -> memref<1024xf32, #tpu.memory_space<vmem>>
      tpu.enqueue_dma source(%dma_start3A_101 : memref<1024xf32, #tpu.memory_space<vmem>>) target(%dma_start3A_98 : memref<1024xf32, #tpu.memory_space<hbm>>) target_semaphore(%arg11 : memref<!tpu.dma_semaphore, #tpu.memory_space<semaphore_mem>>)
      %dma_start3A_102 = arith.constant 0 : i32
      %dma_start3A_103 = arith.constant 2 : i32
      %dma_start3A_104 = arith.constant 2048 : i32
      %dma_start3A_105 = tpu.memref_slice %arg8[%dma_start3A_102, %dma_start3A_104] : memref<4x4096xf32, #tpu.memory_space<vmem>> -> memref<1x1024xf32, #tpu.memory_space<vmem>>
      %dma_start3A_106 = tpu.memref_squeeze %dma_start3A_105 : memref<1x1024xf32, #tpu.memory_space<vmem>> -> memref<1024xf32, #tpu.memory_space<vmem>>
      %dma_start3A_107 = arith.constant 0 : i32
      %dma_start3A_108 = tpu.memref_slice %arg4[%scan3A_11, %dma_start3A_103, %add3A_73, %dma_start3A_107] : memref<50x4x128x1024xf32, #tpu.memory_space<hbm>> -> memref<1x1x1x1024xf32, #tpu.memory_space<hbm>>
      %dma_start3A_109 = tpu.memref_squeeze %dma_start3A_108 : memref<1x1x1x1024xf32, #tpu.memory_space<hbm>> -> memref<1024xf32, #tpu.memory_space<hbm>>
      %dma_start3A_110 = arith.constant 0 : i32
      %dma_start3A_111 = tpu.memref_slice %arg4[%scan3A_11, %dma_start3A_103, %add3A_73, %dma_start3A_110] : memref<50x4x128x1024xf32, #tpu.memory_space<hbm>> -> memref<1x1x1x1024xf32, #tpu.memory_space<hbm>>
      %dma_start3A_112 = tpu.memref_squeeze %dma_start3A_111 : memref<1x1x1x1024xf32, #tpu.memory_space<hbm>> -> memref<1024xf32, #tpu.memory_space<hbm>>
      %dma_start3A_113 = arith.constant 2048 : i32
      %dma_start3A_114 = tpu.memref_slice %arg8[%dma_start3A_102, %dma_start3A_113] : memref<4x4096xf32, #tpu.memory_space<vmem>> -> memref<1x1024xf32, #tpu.memory_space<vmem>>
      %dma_start3A_115 = tpu.memref_squeeze %dma_start3A_114 : memref<1x1024xf32, #tpu.memory_space<vmem>> -> memref<1024xf32, #tpu.memory_space<vmem>>
      tpu.enqueue_dma source(%dma_start3A_115 : memref<1024xf32, #tpu.memory_space<vmem>>) target(%dma_start3A_112 : memref<1024xf32, #tpu.memory_space<hbm>>) target_semaphore(%arg11 : memref<!tpu.dma_semaphore, #tpu.memory_space<semaphore_mem>>)
      %dma_start3A_116 = arith.constant 0 : i32
      %dma_start3A_117 = arith.constant 3 : i32
      %dma_start3A_118 = arith.constant 3072 : i32
      %dma_start3A_119 = tpu.memref_slice %arg8[%dma_start3A_116, %dma_start3A_118] : memref<4x4096xf32, #tpu.memory_space<vmem>> -> memref<1x1024xf32, #tpu.memory_space<vmem>>
      %dma_start3A_120 = tpu.memref_squeeze %dma_start3A_119 : memref<1x1024xf32, #tpu.memory_space<vmem>> -> memref<1024xf32, #tpu.memory_space<vmem>>
      %dma_start3A_121 = arith.constant 0 : i32
      %dma_start3A_122 = tpu.memref_slice %arg4[%scan3A_11, %dma_start3A_117, %add3A_73, %dma_start3A_121] : memref<50x4x128x1024xf32, #tpu.memory_space<hbm>> -> memref<1x1x1x1024xf32, #tpu.memory_space<hbm>>
      %dma_start3A_123 = tpu.memref_squeeze %dma_start3A_122 : memref<1x1x1x1024xf32, #tpu.memory_space<hbm>> -> memref<1024xf32, #tpu.memory_space<hbm>>
      %dma_start3A_124 = arith.constant 0 : i32
      %dma_start3A_125 = tpu.memref_slice %arg4[%scan3A_11, %dma_start3A_117, %add3A_73, %dma_start3A_124] : memref<50x4x128x1024xf32, #tpu.memory_space<hbm>> -> memref<1x1x1x1024xf32, #tpu.memory_space<hbm>>
      %dma_start3A_126 = tpu.memref_squeeze %dma_start3A_125 : memref<1x1x1x1024xf32, #tpu.memory_space<hbm>> -> memref<1024xf32, #tpu.memory_space<hbm>>
      %dma_start3A_127 = arith.constant 3072 : i32
      %dma_start3A_128 = tpu.memref_slice %arg8[%dma_start3A_116, %dma_start3A_127] : memref<4x4096xf32, #tpu.memory_space<vmem>> -> memref<1x1024xf32, #tpu.memory_space<vmem>>
      %dma_start3A_129 = tpu.memref_squeeze %dma_start3A_128 : memref<1x1024xf32, #tpu.memory_space<vmem>> -> memref<1024xf32, #tpu.memory_space<vmem>>
      tpu.enqueue_dma source(%dma_start3A_129 : memref<1024xf32, #tpu.memory_space<vmem>>) target(%dma_start3A_126 : memref<1024xf32, #tpu.memory_space<hbm>>) target_semaphore(%arg11 : memref<!tpu.dma_semaphore, #tpu.memory_space<semaphore_mem>>)
      %dma_wait3A_130 = arith.constant 1 : i32
      %dma_wait3A_131 = arith.constant 0 : i32
      %dma_wait3A_132 = arith.constant 0 : i32
      %dma_wait3A_133 = tpu.memref_slice %arg6[%dma_wait3A_130, %dma_wait3A_131, %dma_wait3A_132] : memref<4x128x32xf32, #tpu.memory_space<vmem>> -> memref<1x128x32xf32, #tpu.memory_space<vmem>>
      %dma_wait3A_134 = tpu.memref_squeeze %dma_wait3A_133 : memref<1x128x32xf32, #tpu.memory_space<vmem>> -> memref<128x32xf32, #tpu.memory_space<vmem>>
      %dma_wait3A_135 = arith.constant 128 : i32
      %dma_wait3A_136 = tpu.memref_slice %arg5[%scan3A_11, %dma_wait3A_135] : memref<50x512xi32, #tpu.memory_space<vmem>> -> memref<1x128xi32, #tpu.memory_space<vmem>>
      %dma_wait3A_137 = tpu.memref_squeeze %dma_wait3A_136 : memref<1x128xi32, #tpu.memory_space<vmem>> -> memref<128xi32, #tpu.memory_space<vmem>>
      %dma_wait3A_138 = arith.constant 0 : i32
      %dma_wait3A_139 = arith.constant 0 : i32
      %dma_wait3A_140 = tpu.memref_slice %arg3[%dma_wait3A_138, %dma_wait3A_139] : memref<1000000x32xf32, #tpu.memory_space<hbm>> -> memref<1000000x32xf32, #tpu.memory_space<hbm>>
      tpu.wait_indirect_dma semaphore(%arg9 : memref<!tpu.dma_semaphore, #tpu.memory_space<semaphore_mem>>) src(%dma_wait3A_140 : memref<1000000x32xf32, #tpu.memory_space<hbm>>) dst(%dma_wait3A_134 : memref<128x32xf32, #tpu.memory_space<vmem>>)
      %parallel_loop3A_141 = arith.constant 0 : i32
      %parallel_loop3A_142 = arith.constant 128 : i32
      %parallel_loop3A_143 = arith.constant 1 : i32
      scf.for %parallel_loop3A_585 = %parallel_loop3A_141 to %parallel_loop3A_142 step %parallel_loop3A_143  : i32 {
        %parallel_loop3A_586 = arith.constant 33 : i32
        %parallel_loop3A_587 = arith.muli %parallel_loop3A_585, %parallel_loop3A_586 : i32
        %parallel_loop3A_588 = arith.constant 1 : i32
        %parallel_loop3A_589 = arith.constant 0 : i32
        %parallel_loop3A_590 = arith.constant 0 : i32
        %parallel_loop3A_591 = tpu.memref_slice %arg6[%parallel_loop3A_588, %parallel_loop3A_589, %parallel_loop3A_590] : memref<4x128x32xf32, #tpu.memory_space<vmem>> -> memref<1x128x32xf32, #tpu.memory_space<vmem>>
        %parallel_loop3A_592 = tpu.memref_squeeze %parallel_loop3A_591 : memref<1x128x32xf32, #tpu.memory_space<vmem>> -> memref<128x32xf32, #tpu.memory_space<vmem>>
        %parallel_loop3A_593 = arith.index_cast %parallel_loop3A_585 : i32 to index
        %parallel_loop3A_594 = arith.constant 0 : index
        %parallel_loop3A_595 = tpu.vector_load %parallel_loop3A_592[%parallel_loop3A_593, %parallel_loop3A_594] {strides = array<i32>} : memref<128x32xf32, #tpu.memory_space<vmem>>, vector<16xf32>,
        %parallel_loop3A_596 = arith.constant 1 : i32
        %parallel_loop3A_597 = arith.index_cast %parallel_loop3A_596 : i32 to index
        %parallel_loop3A_598 = arith.index_cast %parallel_loop3A_587 : i32 to index
        %parallel_loop3A_599 = tpu.vector_load %arg7[%parallel_loop3A_597, %parallel_loop3A_598] {strides = array<i32>} : memref<4x4224xf32, #tpu.memory_space<vmem>>, vector<16xf32>,
        tpu.vector_store %arg7[%parallel_loop3A_597, %parallel_loop3A_598], %parallel_loop3A_595 {strides = array<i32>} : memref<4x4224xf32, #tpu.memory_space<vmem>>, vector<16xf32>,
        %parallel_loop3A_600 = arith.constant 1 : i32
        %parallel_loop3A_601 = arith.constant 0 : i32
        %parallel_loop3A_602 = arith.constant 0 : i32
        %parallel_loop3A_603 = tpu.memref_slice %arg6[%parallel_loop3A_600, %parallel_loop3A_601, %parallel_loop3A_602] : memref<4x128x32xf32, #tpu.memory_space<vmem>> -> memref<1x128x32xf32, #tpu.memory_space<vmem>>
        %parallel_loop3A_604 = tpu.memref_squeeze %parallel_loop3A_603 : memref<1x128x32xf32, #tpu.memory_space<vmem>> -> memref<128x32xf32, #tpu.memory_space<vmem>>
        %parallel_loop3A_605 = arith.index_cast %parallel_loop3A_585 : i32 to index
        %parallel_loop3A_606 = arith.constant 16 : index
        %parallel_loop3A_607 = tpu.vector_load %parallel_loop3A_604[%parallel_loop3A_605, %parallel_loop3A_606] {strides = array<i32>} : memref<128x32xf32, #tpu.memory_space<vmem>>, vector<16xf32>,
        %parallel_loop3A_608 = arith.constant 16 : i32
        %parallel_loop3A_609 = arith.addi %parallel_loop3A_587, %parallel_loop3A_608 : i32
        %parallel_loop3A_610 = arith.constant 1 : i32
        %parallel_loop3A_611 = arith.index_cast %parallel_loop3A_610 : i32 to index
        %parallel_loop3A_612 = arith.index_cast %parallel_loop3A_609 : i32 to index
        %parallel_loop3A_613 = tpu.vector_load %arg7[%parallel_loop3A_611, %parallel_loop3A_612] {strides = array<i32>} : memref<4x4224xf32, #tpu.memory_space<vmem>>, vector<16xf32>,
        tpu.vector_store %arg7[%parallel_loop3A_611, %parallel_loop3A_612], %parallel_loop3A_607 {strides = array<i32>} : memref<4x4224xf32, #tpu.memory_space<vmem>>, vector<16xf32>,
      } {sc.loop_unroll_factor = 8 : i64, sc.parallel_access}
      %parallel_loop3A_144 = arith.constant 0 : i32
      %parallel_loop3A_145 = arith.constant 256 : i32
      %parallel_loop3A_146 = arith.constant 1 : i32
      scf.for %parallel_loop3A_585 = %parallel_loop3A_144 to %parallel_loop3A_145 step %parallel_loop3A_146  : i32 {
        %parallel_loop3A_586 = arith.constant 3 : i32
        %parallel_loop3A_587 = arith.shrsi %parallel_loop3A_585, %parallel_loop3A_586 : i32
        %parallel_loop3A_588 = arith.constant 7 : i32
        %parallel_loop3A_589 = arith.andi %parallel_loop3A_585, %parallel_loop3A_588 : i32
        %parallel_loop3A_590 = arith.constant 4 : i32
        %parallel_loop3A_591 = arith.shli %parallel_loop3A_589, %parallel_loop3A_590 : i32
        %parallel_loop3A_592 = arith.constant 33 : i32
        %parallel_loop3A_593 = arith.muli %parallel_loop3A_591, %parallel_loop3A_592 : i32
        %parallel_loop3A_594 = arith.addi %parallel_loop3A_593, %parallel_loop3A_587 : i32
        %parallel_loop3A_595 = vector.broadcast %parallel_loop3A_594 : i32 to vector<16xi32>
        %parallel_loop3A_596 = arith.addi %mul3A_5, %parallel_loop3A_595 : vector<16xi32>
        %parallel_loop3A_597 = arith.constant 3 : i32
        %parallel_loop3A_598 = arith.shrsi %parallel_loop3A_587, %parallel_loop3A_597 : i32
        %parallel_loop3A_599 = arith.constant 10 : i32
        %parallel_loop3A_600 = arith.shli %parallel_loop3A_598, %parallel_loop3A_599 : i32
        %parallel_loop3A_601 = arith.constant 7 : i32
        %parallel_loop3A_602 = arith.andi %parallel_loop3A_587, %parallel_loop3A_601 : i32
        %parallel_loop3A_603 = arith.constant 7 : i32
        %parallel_loop3A_604 = arith.shli %parallel_loop3A_602, %parallel_loop3A_603 : i32
        %parallel_loop3A_605 = arith.addi %parallel_loop3A_600, %parallel_loop3A_604 : i32
        %parallel_loop3A_606 = arith.constant 4 : i32
        %parallel_loop3A_607 = arith.shli %parallel_loop3A_589, %parallel_loop3A_606 : i32
        %parallel_loop3A_608 = arith.addi %parallel_loop3A_605, %parallel_loop3A_607 : i32
        %parallel_loop3A_609 = arith.constant 1 : i32
        %parallel_loop3A_610 = arith.constant 0 : i32
        %parallel_loop3A_611 = tpu.memref_slice %arg7[%parallel_loop3A_609, %parallel_loop3A_610] : memref<4x4224xf32, #tpu.memory_space<vmem>> -> memref<1x4224xf32, #tpu.memory_space<vmem>>
        %parallel_loop3A_612 = tpu.memref_squeeze %parallel_loop3A_611 : memref<1x4224xf32, #tpu.memory_space<vmem>> -> memref<4224xf32, #tpu.memory_space<vmem>>
        %parallel_loop3A_613 = tpu.vector_load_idx %parallel_loop3A_612[%parallel_loop3A_596] : memref<4224xf32, #tpu.memory_space<vmem>>[vector<16xi32>], vector<16xf32>,
        %parallel_loop3A_614 = arith.constant 1 : i32
        %parallel_loop3A_615 = arith.index_cast %parallel_loop3A_614 : i32 to index
        %parallel_loop3A_616 = arith.index_cast %parallel_loop3A_608 : i32 to index
        %parallel_loop3A_617 = tpu.vector_load %arg8[%parallel_loop3A_615, %parallel_loop3A_616] {strides = array<i32>} : memref<4x4096xf32, #tpu.memory_space<vmem>>, vector<16xf32>,
        tpu.vector_store %arg8[%parallel_loop3A_615, %parallel_loop3A_616], %parallel_loop3A_613 {strides = array<i32>} : memref<4x4096xf32, #tpu.memory_space<vmem>>, vector<16xf32>,
      } {sc.loop_unroll_factor = 16 : i64, sc.parallel_access}
      %mul3A_147 = arith.constant 4 : i32
      %mul3A_148 = arith.muli %add3A, %mul3A_147 : i32
      %add3A_149 = arith.constant 1 : i32
      %add3A_150 = arith.addi %mul3A_148, %add3A_149 : i32
      %dma_start3A_151 = arith.constant 1 : i32
      %dma_start3A_152 = arith.constant 0 : i32
      %dma_start3A_153 = arith.constant 0 : i32
      %dma_start3A_154 = tpu.memref_slice %arg8[%dma_start3A_151, %dma_start3A_153] : memref<4x4096xf32, #tpu.memory_space<vmem>> -> memref<1x1024xf32, #tpu.memory_space<vmem>>
      %dma_start3A_155 = tpu.memref_squeeze %dma_start3A_154 : memref<1x1024xf32, #tpu.memory_space<vmem>> -> memref<1024xf32, #tpu.memory_space<vmem>>
      %dma_start3A_156 = arith.constant 0 : i32
      %dma_start3A_157 = tpu.memref_slice %arg4[%scan3A_11, %dma_start3A_152, %add3A_150, %dma_start3A_156] : memref<50x4x128x1024xf32, #tpu.memory_space<hbm>> -> memref<1x1x1x1024xf32, #tpu.memory_space<hbm>>
      %dma_start3A_158 = tpu.memref_squeeze %dma_start3A_157 : memref<1x1x1x1024xf32, #tpu.memory_space<hbm>> -> memref<1024xf32, #tpu.memory_space<hbm>>
      %dma_start3A_159 = arith.constant 0 : i32
      %dma_start3A_160 = tpu.memref_slice %arg4[%scan3A_11, %dma_start3A_152, %add3A_150, %dma_start3A_159] : memref<50x4x128x1024xf32, #tpu.memory_space<hbm>> -> memref<1x1x1x1024xf32, #tpu.memory_space<hbm>>
      %dma_start3A_161 = tpu.memref_squeeze %dma_start3A_160 : memref<1x1x1x1024xf32, #tpu.memory_space<hbm>> -> memref<1024xf32, #tpu.memory_space<hbm>>
      %dma_start3A_162 = arith.constant 0 : i32
      %dma_start3A_163 = tpu.memref_slice %arg8[%dma_start3A_151, %dma_start3A_162] : memref<4x4096xf32, #tpu.memory_space<vmem>> -> memref<1x1024xf32, #tpu.memory_space<vmem>>
      %dma_start3A_164 = tpu.memref_squeeze %dma_start3A_163 : memref<1x1024xf32, #tpu.memory_space<vmem>> -> memref<1024xf32, #tpu.memory_space<vmem>>
      tpu.enqueue_dma source(%dma_start3A_164 : memref<1024xf32, #tpu.memory_space<vmem>>) target(%dma_start3A_161 : memref<1024xf32, #tpu.memory_space<hbm>>) target_semaphore(%arg11 : memref<!tpu.dma_semaphore, #tpu.memory_space<semaphore_mem>>)
      %dma_start3A_165 = arith.constant 1 : i32
      %dma_start3A_166 = arith.constant 1 : i32
      %dma_start3A_167 = arith.constant 1024 : i32
      %dma_start3A_168 = tpu.memref_slice %arg8[%dma_start3A_165, %dma_start3A_167] : memref<4x4096xf32, #tpu.memory_space<vmem>> -> memref<1x1024xf32, #tpu.memory_space<vmem>>
      %dma_start3A_169 = tpu.memref_squeeze %dma_start3A_168 : memref<1x1024xf32, #tpu.memory_space<vmem>> -> memref<1024xf32, #tpu.memory_space<vmem>>
      %dma_start3A_170 = arith.constant 0 : i32
      %dma_start3A_171 = tpu.memref_slice %arg4[%scan3A_11, %dma_start3A_166, %add3A_150, %dma_start3A_170] : memref<50x4x128x1024xf32, #tpu.memory_space<hbm>> -> memref<1x1x1x1024xf32, #tpu.memory_space<hbm>>
      %dma_start3A_172 = tpu.memref_squeeze %dma_start3A_171 : memref<1x1x1x1024xf32, #tpu.memory_space<hbm>> -> memref<1024xf32, #tpu.memory_space<hbm>>
      %dma_start3A_173 = arith.constant 0 : i32
      %dma_start3A_174 = tpu.memref_slice %arg4[%scan3A_11, %dma_start3A_166, %add3A_150, %dma_start3A_173] : memref<50x4x128x1024xf32, #tpu.memory_space<hbm>> -> memref<1x1x1x1024xf32, #tpu.memory_space<hbm>>
      %dma_start3A_175 = tpu.memref_squeeze %dma_start3A_174 : memref<1x1x1x1024xf32, #tpu.memory_space<hbm>> -> memref<1024xf32, #tpu.memory_space<hbm>>
      %dma_start3A_176 = arith.constant 1024 : i32
      %dma_start3A_177 = tpu.memref_slice %arg8[%dma_start3A_165, %dma_start3A_176] : memref<4x4096xf32, #tpu.memory_space<vmem>> -> memref<1x1024xf32, #tpu.memory_space<vmem>>
      %dma_start3A_178 = tpu.memref_squeeze %dma_start3A_177 : memref<1x1024xf32, #tpu.memory_space<vmem>> -> memref<1024xf32, #tpu.memory_space<vmem>>
      tpu.enqueue_dma source(%dma_start3A_178 : memref<1024xf32, #tpu.memory_space<vmem>>) target(%dma_start3A_175 : memref<1024xf32, #tpu.memory_space<hbm>>) target_semaphore(%arg11 : memref<!tpu.dma_semaphore, #tpu.memory_space<semaphore_mem>>)
      %dma_start3A_179 = arith.constant 1 : i32
      %dma_start3A_180 = arith.constant 2 : i32
      %dma_start3A_181 = arith.constant 2048 : i32
      %dma_start3A_182 = tpu.memref_slice %arg8[%dma_start3A_179, %dma_start3A_181] : memref<4x4096xf32, #tpu.memory_space<vmem>> -> memref<1x1024xf32, #tpu.memory_space<vmem>>
      %dma_start3A_183 = tpu.memref_squeeze %dma_start3A_182 : memref<1x1024xf32, #tpu.memory_space<vmem>> -> memref<1024xf32, #tpu.memory_space<vmem>>
      %dma_start3A_184 = arith.constant 0 : i32
      %dma_start3A_185 = tpu.memref_slice %arg4[%scan3A_11, %dma_start3A_180, %add3A_150, %dma_start3A_184] : memref<50x4x128x1024xf32, #tpu.memory_space<hbm>> -> memref<1x1x1x1024xf32, #tpu.memory_space<hbm>>
      %dma_start3A_186 = tpu.memref_squeeze %dma_start3A_185 : memref<1x1x1x1024xf32, #tpu.memory_space<hbm>> -> memref<1024xf32, #tpu.memory_space<hbm>>
      %dma_start3A_187 = arith.constant 0 : i32
      %dma_start3A_188 = tpu.memref_slice %arg4[%scan3A_11, %dma_start3A_180, %add3A_150, %dma_start3A_187] : memref<50x4x128x1024xf32, #tpu.memory_space<hbm>> -> memref<1x1x1x1024xf32, #tpu.memory_space<hbm>>
      %dma_start3A_189 = tpu.memref_squeeze %dma_start3A_188 : memref<1x1x1x1024xf32, #tpu.memory_space<hbm>> -> memref<1024xf32, #tpu.memory_space<hbm>>
      %dma_start3A_190 = arith.constant 2048 : i32
      %dma_start3A_191 = tpu.memref_slice %arg8[%dma_start3A_179, %dma_start3A_190] : memref<4x4096xf32, #tpu.memory_space<vmem>> -> memref<1x1024xf32, #tpu.memory_space<vmem>>
      %dma_start3A_192 = tpu.memref_squeeze %dma_start3A_191 : memref<1x1024xf32, #tpu.memory_space<vmem>> -> memref<1024xf32, #tpu.memory_space<vmem>>
      tpu.enqueue_dma source(%dma_start3A_192 : memref<1024xf32, #tpu.memory_space<vmem>>) target(%dma_start3A_189 : memref<1024xf32, #tpu.memory_space<hbm>>) target_semaphore(%arg11 : memref<!tpu.dma_semaphore, #tpu.memory_space<semaphore_mem>>)
      %dma_start3A_193 = arith.constant 1 : i32
      %dma_start3A_194 = arith.constant 3 : i32
      %dma_start3A_195 = arith.constant 3072 : i32
      %dma_start3A_196 = tpu.memref_slice %arg8[%dma_start3A_193, %dma_start3A_195] : memref<4x4096xf32, #tpu.memory_space<vmem>> -> memref<1x1024xf32, #tpu.memory_space<vmem>>
      %dma_start3A_197 = tpu.memref_squeeze %dma_start3A_196 : memref<1x1024xf32, #tpu.memory_space<vmem>> -> memref<1024xf32, #tpu.memory_space<vmem>>
      %dma_start3A_198 = arith.constant 0 : i32
      %dma_start3A_199 = tpu.memref_slice %arg4[%scan3A_11, %dma_start3A_194, %add3A_150, %dma_start3A_198] : memref<50x4x128x1024xf32, #tpu.memory_space<hbm>> -> memref<1x1x1x1024xf32, #tpu.memory_space<hbm>>
      %dma_start3A_200 = tpu.memref_squeeze %dma_start3A_199 : memref<1x1x1x1024xf32, #tpu.memory_space<hbm>> -> memref<1024xf32, #tpu.memory_space<hbm>>
      %dma_start3A_201 = arith.constant 0 : i32
      %dma_start3A_202 = tpu.memref_slice %arg4[%scan3A_11, %dma_start3A_194, %add3A_150, %dma_start3A_201] : memref<50x4x128x1024xf32, #tpu.memory_space<hbm>> -> memref<1x1x1x1024xf32, #tpu.memory_space<hbm>>
      %dma_start3A_203 = tpu.memref_squeeze %dma_start3A_202 : memref<1x1x1x1024xf32, #tpu.memory_space<hbm>> -> memref<1024xf32, #tpu.memory_space<hbm>>
      %dma_start3A_204 = arith.constant 3072 : i32
      %dma_start3A_205 = tpu.memref_slice %arg8[%dma_start3A_193, %dma_start3A_204] : memref<4x4096xf32, #tpu.memory_space<vmem>> -> memref<1x1024xf32, #tpu.memory_space<vmem>>
      %dma_start3A_206 = tpu.memref_squeeze %dma_start3A_205 : memref<1x1024xf32, #tpu.memory_space<vmem>> -> memref<1024xf32, #tpu.memory_space<vmem>>
      tpu.enqueue_dma source(%dma_start3A_206 : memref<1024xf32, #tpu.memory_space<vmem>>) target(%dma_start3A_203 : memref<1024xf32, #tpu.memory_space<hbm>>) target_semaphore(%arg11 : memref<!tpu.dma_semaphore, #tpu.memory_space<semaphore_mem>>)
      %dma_wait3A_207 = arith.constant 2 : i32
      %dma_wait3A_208 = arith.constant 0 : i32
      %dma_wait3A_209 = arith.constant 0 : i32
      %dma_wait3A_210 = tpu.memref_slice %arg6[%dma_wait3A_207, %dma_wait3A_208, %dma_wait3A_209] : memref<4x128x32xf32, #tpu.memory_space<vmem>> -> memref<1x128x32xf32, #tpu.memory_space<vmem>>
      %dma_wait3A_211 = tpu.memref_squeeze %dma_wait3A_210 : memref<1x128x32xf32, #tpu.memory_space<vmem>> -> memref<128x32xf32, #tpu.memory_space<vmem>>
      %dma_wait3A_212 = arith.constant 256 : i32
      %dma_wait3A_213 = tpu.memref_slice %arg5[%scan3A_11, %dma_wait3A_212] : memref<50x512xi32, #tpu.memory_space<vmem>> -> memref<1x128xi32, #tpu.memory_space<vmem>>
      %dma_wait3A_214 = tpu.memref_squeeze %dma_wait3A_213 : memref<1x128xi32, #tpu.memory_space<vmem>> -> memref<128xi32, #tpu.memory_space<vmem>>
      %dma_wait3A_215 = arith.constant 0 : i32
      %dma_wait3A_216 = arith.constant 0 : i32
      %dma_wait3A_217 = tpu.memref_slice %arg3[%dma_wait3A_215, %dma_wait3A_216] : memref<1000000x32xf32, #tpu.memory_space<hbm>> -> memref<1000000x32xf32, #tpu.memory_space<hbm>>
      tpu.wait_indirect_dma semaphore(%arg9 : memref<!tpu.dma_semaphore, #tpu.memory_space<semaphore_mem>>) src(%dma_wait3A_217 : memref<1000000x32xf32, #tpu.memory_space<hbm>>) dst(%dma_wait3A_211 : memref<128x32xf32, #tpu.memory_space<vmem>>)
      %parallel_loop3A_218 = arith.constant 0 : i32
      %parallel_loop3A_219 = arith.constant 128 : i32
      %parallel_loop3A_220 = arith.constant 1 : i32
      scf.for %parallel_loop3A_585 = %parallel_loop3A_218 to %parallel_loop3A_219 step %parallel_loop3A_220  : i32 {
        %parallel_loop3A_586 = arith.constant 33 : i32
        %parallel_loop3A_587 = arith.muli %parallel_loop3A_585, %parallel_loop3A_586 : i32
        %parallel_loop3A_588 = arith.constant 2 : i32
        %parallel_loop3A_589 = arith.constant 0 : i32
        %parallel_loop3A_590 = arith.constant 0 : i32
        %parallel_loop3A_591 = tpu.memref_slice %arg6[%parallel_loop3A_588, %parallel_loop3A_589, %parallel_loop3A_590] : memref<4x128x32xf32, #tpu.memory_space<vmem>> -> memref<1x128x32xf32, #tpu.memory_space<vmem>>
        %parallel_loop3A_592 = tpu.memref_squeeze %parallel_loop3A_591 : memref<1x128x32xf32, #tpu.memory_space<vmem>> -> memref<128x32xf32, #tpu.memory_space<vmem>>
        %parallel_loop3A_593 = arith.index_cast %parallel_loop3A_585 : i32 to index
        %parallel_loop3A_594 = arith.constant 0 : index
        %parallel_loop3A_595 = tpu.vector_load %parallel_loop3A_592[%parallel_loop3A_593, %parallel_loop3A_594] {strides = array<i32>} : memref<128x32xf32, #tpu.memory_space<vmem>>, vector<16xf32>,
        %parallel_loop3A_596 = arith.constant 2 : i32
        %parallel_loop3A_597 = arith.index_cast %parallel_loop3A_596 : i32 to index
        %parallel_loop3A_598 = arith.index_cast %parallel_loop3A_587 : i32 to index
        %parallel_loop3A_599 = tpu.vector_load %arg7[%parallel_loop3A_597, %parallel_loop3A_598] {strides = array<i32>} : memref<4x4224xf32, #tpu.memory_space<vmem>>, vector<16xf32>,
        tpu.vector_store %arg7[%parallel_loop3A_597, %parallel_loop3A_598], %parallel_loop3A_595 {strides = array<i32>} : memref<4x4224xf32, #tpu.memory_space<vmem>>, vector<16xf32>,
        %parallel_loop3A_600 = arith.constant 2 : i32
        %parallel_loop3A_601 = arith.constant 0 : i32
        %parallel_loop3A_602 = arith.constant 0 : i32
        %parallel_loop3A_603 = tpu.memref_slice %arg6[%parallel_loop3A_600, %parallel_loop3A_601, %parallel_loop3A_602] : memref<4x128x32xf32, #tpu.memory_space<vmem>> -> memref<1x128x32xf32, #tpu.memory_space<vmem>>
        %parallel_loop3A_604 = tpu.memref_squeeze %parallel_loop3A_603 : memref<1x128x32xf32, #tpu.memory_space<vmem>> -> memref<128x32xf32, #tpu.memory_space<vmem>>
        %parallel_loop3A_605 = arith.index_cast %parallel_loop3A_585 : i32 to index
        %parallel_loop3A_606 = arith.constant 16 : index
        %parallel_loop3A_607 = tpu.vector_load %parallel_loop3A_604[%parallel_loop3A_605, %parallel_loop3A_606] {strides = array<i32>} : memref<128x32xf32, #tpu.memory_space<vmem>>, vector<16xf32>,
        %parallel_loop3A_608 = arith.constant 16 : i32
        %parallel_loop3A_609 = arith.addi %parallel_loop3A_587, %parallel_loop3A_608 : i32
        %parallel_loop3A_610 = arith.constant 2 : i32
        %parallel_loop3A_611 = arith.index_cast %parallel_loop3A_610 : i32 to index
        %parallel_loop3A_612 = arith.index_cast %parallel_loop3A_609 : i32 to index
        %parallel_loop3A_613 = tpu.vector_load %arg7[%parallel_loop3A_611, %parallel_loop3A_612] {strides = array<i32>} : memref<4x4224xf32, #tpu.memory_space<vmem>>, vector<16xf32>,
        tpu.vector_store %arg7[%parallel_loop3A_611, %parallel_loop3A_612], %parallel_loop3A_607 {strides = array<i32>} : memref<4x4224xf32, #tpu.memory_space<vmem>>, vector<16xf32>,
      } {sc.loop_unroll_factor = 8 : i64, sc.parallel_access}
      %parallel_loop3A_221 = arith.constant 0 : i32
      %parallel_loop3A_222 = arith.constant 256 : i32
      %parallel_loop3A_223 = arith.constant 1 : i32
      scf.for %parallel_loop3A_585 = %parallel_loop3A_221 to %parallel_loop3A_222 step %parallel_loop3A_223  : i32 {
        %parallel_loop3A_586 = arith.constant 3 : i32
        %parallel_loop3A_587 = arith.shrsi %parallel_loop3A_585, %parallel_loop3A_586 : i32
        %parallel_loop3A_588 = arith.constant 7 : i32
        %parallel_loop3A_589 = arith.andi %parallel_loop3A_585, %parallel_loop3A_588 : i32
        %parallel_loop3A_590 = arith.constant 4 : i32
        %parallel_loop3A_591 = arith.shli %parallel_loop3A_589, %parallel_loop3A_590 : i32
        %parallel_loop3A_592 = arith.constant 33 : i32
        %parallel_loop3A_593 = arith.muli %parallel_loop3A_591, %parallel_loop3A_592 : i32
        %parallel_loop3A_594 = arith.addi %parallel_loop3A_593, %parallel_loop3A_587 : i32
        %parallel_loop3A_595 = vector.broadcast %parallel_loop3A_594 : i32 to vector<16xi32>
        %parallel_loop3A_596 = arith.addi %mul3A_5, %parallel_loop3A_595 : vector<16xi32>
        %parallel_loop3A_597 = arith.constant 3 : i32
        %parallel_loop3A_598 = arith.shrsi %parallel_loop3A_587, %parallel_loop3A_597 : i32
        %parallel_loop3A_599 = arith.constant 10 : i32
        %parallel_loop3A_600 = arith.shli %parallel_loop3A_598, %parallel_loop3A_599 : i32
        %parallel_loop3A_601 = arith.constant 7 : i32
        %parallel_loop3A_602 = arith.andi %parallel_loop3A_587, %parallel_loop3A_601 : i32
        %parallel_loop3A_603 = arith.constant 7 : i32
        %parallel_loop3A_604 = arith.shli %parallel_loop3A_602, %parallel_loop3A_603 : i32
        %parallel_loop3A_605 = arith.addi %parallel_loop3A_600, %parallel_loop3A_604 : i32
        %parallel_loop3A_606 = arith.constant 4 : i32
        %parallel_loop3A_607 = arith.shli %parallel_loop3A_589, %parallel_loop3A_606 : i32
        %parallel_loop3A_608 = arith.addi %parallel_loop3A_605, %parallel_loop3A_607 : i32
        %parallel_loop3A_609 = arith.constant 2 : i32
        %parallel_loop3A_610 = arith.constant 0 : i32
        %parallel_loop3A_611 = tpu.memref_slice %arg7[%parallel_loop3A_609, %parallel_loop3A_610] : memref<4x4224xf32, #tpu.memory_space<vmem>> -> memref<1x4224xf32, #tpu.memory_space<vmem>>
        %parallel_loop3A_612 = tpu.memref_squeeze %parallel_loop3A_611 : memref<1x4224xf32, #tpu.memory_space<vmem>> -> memref<4224xf32, #tpu.memory_space<vmem>>
        %parallel_loop3A_613 = tpu.vector_load_idx %parallel_loop3A_612[%parallel_loop3A_596] : memref<4224xf32, #tpu.memory_space<vmem>>[vector<16xi32>], vector<16xf32>,
        %parallel_loop3A_614 = arith.constant 2 : i32
        %parallel_loop3A_615 = arith.index_cast %parallel_loop3A_614 : i32 to index
        %parallel_loop3A_616 = arith.index_cast %parallel_loop3A_608 : i32 to index
        %parallel_loop3A_617 = tpu.vector_load %arg8[%parallel_loop3A_615, %parallel_loop3A_616] {strides = array<i32>} : memref<4x4096xf32, #tpu.memory_space<vmem>>, vector<16xf32>,
        tpu.vector_store %arg8[%parallel_loop3A_615, %parallel_loop3A_616], %parallel_loop3A_613 {strides = array<i32>} : memref<4x4096xf32, #tpu.memory_space<vmem>>, vector<16xf32>,
      } {sc.loop_unroll_factor = 16 : i64, sc.parallel_access}
      %mul3A_224 = arith.constant 4 : i32
      %mul3A_225 = arith.muli %add3A, %mul3A_224 : i32
      %add3A_226 = arith.constant 2 : i32
      %add3A_227 = arith.addi %mul3A_225, %add3A_226 : i32
      %dma_start3A_228 = arith.constant 2 : i32
      %dma_start3A_229 = arith.constant 0 : i32
      %dma_start3A_230 = arith.constant 0 : i32
      %dma_start3A_231 = tpu.memref_slice %arg8[%dma_start3A_228, %dma_start3A_230] : memref<4x4096xf32, #tpu.memory_space<vmem>> -> memref<1x1024xf32, #tpu.memory_space<vmem>>
      %dma_start3A_232 = tpu.memref_squeeze %dma_start3A_231 : memref<1x1024xf32, #tpu.memory_space<vmem>> -> memref<1024xf32, #tpu.memory_space<vmem>>
      %dma_start3A_233 = arith.constant 0 : i32
      %dma_start3A_234 = tpu.memref_slice %arg4[%scan3A_11, %dma_start3A_229, %add3A_227, %dma_start3A_233] : memref<50x4x128x1024xf32, #tpu.memory_space<hbm>> -> memref<1x1x1x1024xf32, #tpu.memory_space<hbm>>
      %dma_start3A_235 = tpu.memref_squeeze %dma_start3A_234 : memref<1x1x1x1024xf32, #tpu.memory_space<hbm>> -> memref<1024xf32, #tpu.memory_space<hbm>>
      %dma_start3A_236 = arith.constant 0 : i32
      %dma_start3A_237 = tpu.memref_slice %arg4[%scan3A_11, %dma_start3A_229, %add3A_227, %dma_start3A_236] : memref<50x4x128x1024xf32, #tpu.memory_space<hbm>> -> memref<1x1x1x1024xf32, #tpu.memory_space<hbm>>
      %dma_start3A_238 = tpu.memref_squeeze %dma_start3A_237 : memref<1x1x1x1024xf32, #tpu.memory_space<hbm>> -> memref<1024xf32, #tpu.memory_space<hbm>>
      %dma_start3A_239 = arith.constant 0 : i32
      %dma_start3A_240 = tpu.memref_slice %arg8[%dma_start3A_228, %dma_start3A_239] : memref<4x4096xf32, #tpu.memory_space<vmem>> -> memref<1x1024xf32, #tpu.memory_space<vmem>>
      %dma_start3A_241 = tpu.memref_squeeze %dma_start3A_240 : memref<1x1024xf32, #tpu.memory_space<vmem>> -> memref<1024xf32, #tpu.memory_space<vmem>>
      tpu.enqueue_dma source(%dma_start3A_241 : memref<1024xf32, #tpu.memory_space<vmem>>) target(%dma_start3A_238 : memref<1024xf32, #tpu.memory_space<hbm>>) target_semaphore(%arg11 : memref<!tpu.dma_semaphore, #tpu.memory_space<semaphore_mem>>)
      %dma_start3A_242 = arith.constant 2 : i32
      %dma_start3A_243 = arith.constant 1 : i32
      %dma_start3A_244 = arith.constant 1024 : i32
      %dma_start3A_245 = tpu.memref_slice %arg8[%dma_start3A_242, %dma_start3A_244] : memref<4x4096xf32, #tpu.memory_space<vmem>> -> memref<1x1024xf32, #tpu.memory_space<vmem>>
      %dma_start3A_246 = tpu.memref_squeeze %dma_start3A_245 : memref<1x1024xf32, #tpu.memory_space<vmem>> -> memref<1024xf32, #tpu.memory_space<vmem>>
      %dma_start3A_247 = arith.constant 0 : i32
      %dma_start3A_248 = tpu.memref_slice %arg4[%scan3A_11, %dma_start3A_243, %add3A_227, %dma_start3A_247] : memref<50x4x128x1024xf32, #tpu.memory_space<hbm>> -> memref<1x1x1x1024xf32, #tpu.memory_space<hbm>>
      %dma_start3A_249 = tpu.memref_squeeze %dma_start3A_248 : memref<1x1x1x1024xf32, #tpu.memory_space<hbm>> -> memref<1024xf32, #tpu.memory_space<hbm>>
      %dma_start3A_250 = arith.constant 0 : i32
      %dma_start3A_251 = tpu.memref_slice %arg4[%scan3A_11, %dma_start3A_243, %add3A_227, %dma_start3A_250] : memref<50x4x128x1024xf32, #tpu.memory_space<hbm>> -> memref<1x1x1x1024xf32, #tpu.memory_space<hbm>>
      %dma_start3A_252 = tpu.memref_squeeze %dma_start3A_251 : memref<1x1x1x1024xf32, #tpu.memory_space<hbm>> -> memref<1024xf32, #tpu.memory_space<hbm>>
      %dma_start3A_253 = arith.constant 1024 : i32
      %dma_start3A_254 = tpu.memref_slice %arg8[%dma_start3A_242, %dma_start3A_253] : memref<4x4096xf32, #tpu.memory_space<vmem>> -> memref<1x1024xf32, #tpu.memory_space<vmem>>
      %dma_start3A_255 = tpu.memref_squeeze %dma_start3A_254 : memref<1x1024xf32, #tpu.memory_space<vmem>> -> memref<1024xf32, #tpu.memory_space<vmem>>
      tpu.enqueue_dma source(%dma_start3A_255 : memref<1024xf32, #tpu.memory_space<vmem>>) target(%dma_start3A_252 : memref<1024xf32, #tpu.memory_space<hbm>>) target_semaphore(%arg11 : memref<!tpu.dma_semaphore, #tpu.memory_space<semaphore_mem>>)
      %dma_start3A_256 = arith.constant 2 : i32
      %dma_start3A_257 = arith.constant 2 : i32
      %dma_start3A_258 = arith.constant 2048 : i32
      %dma_start3A_259 = tpu.memref_slice %arg8[%dma_start3A_256, %dma_start3A_258] : memref<4x4096xf32, #tpu.memory_space<vmem>> -> memref<1x1024xf32, #tpu.memory_space<vmem>>
      %dma_start3A_260 = tpu.memref_squeeze %dma_start3A_259 : memref<1x1024xf32, #tpu.memory_space<vmem>> -> memref<1024xf32, #tpu.memory_space<vmem>>
      %dma_start3A_261 = arith.constant 0 : i32
      %dma_start3A_262 = tpu.memref_slice %arg4[%scan3A_11, %dma_start3A_257, %add3A_227, %dma_start3A_261] : memref<50x4x128x1024xf32, #tpu.memory_space<hbm>> -> memref<1x1x1x1024xf32, #tpu.memory_space<hbm>>
      %dma_start3A_263 = tpu.memref_squeeze %dma_start3A_262 : memref<1x1x1x1024xf32, #tpu.memory_space<hbm>> -> memref<1024xf32, #tpu.memory_space<hbm>>
      %dma_start3A_264 = arith.constant 0 : i32
      %dma_start3A_265 = tpu.memref_slice %arg4[%scan3A_11, %dma_start3A_257, %add3A_227, %dma_start3A_264] : memref<50x4x128x1024xf32, #tpu.memory_space<hbm>> -> memref<1x1x1x1024xf32, #tpu.memory_space<hbm>>
      %dma_start3A_266 = tpu.memref_squeeze %dma_start3A_265 : memref<1x1x1x1024xf32, #tpu.memory_space<hbm>> -> memref<1024xf32, #tpu.memory_space<hbm>>
      %dma_start3A_267 = arith.constant 2048 : i32
      %dma_start3A_268 = tpu.memref_slice %arg8[%dma_start3A_256, %dma_start3A_267] : memref<4x4096xf32, #tpu.memory_space<vmem>> -> memref<1x1024xf32, #tpu.memory_space<vmem>>
      %dma_start3A_269 = tpu.memref_squeeze %dma_start3A_268 : memref<1x1024xf32, #tpu.memory_space<vmem>> -> memref<1024xf32, #tpu.memory_space<vmem>>
      tpu.enqueue_dma source(%dma_start3A_269 : memref<1024xf32, #tpu.memory_space<vmem>>) target(%dma_start3A_266 : memref<1024xf32, #tpu.memory_space<hbm>>) target_semaphore(%arg11 : memref<!tpu.dma_semaphore, #tpu.memory_space<semaphore_mem>>)
      %dma_start3A_270 = arith.constant 2 : i32
      %dma_start3A_271 = arith.constant 3 : i32
      %dma_start3A_272 = arith.constant 3072 : i32
      %dma_start3A_273 = tpu.memref_slice %arg8[%dma_start3A_270, %dma_start3A_272] : memref<4x4096xf32, #tpu.memory_space<vmem>> -> memref<1x1024xf32, #tpu.memory_space<vmem>>
      %dma_start3A_274 = tpu.memref_squeeze %dma_start3A_273 : memref<1x1024xf32, #tpu.memory_space<vmem>> -> memref<1024xf32, #tpu.memory_space<vmem>>
      %dma_start3A_275 = arith.constant 0 : i32
      %dma_start3A_276 = tpu.memref_slice %arg4[%scan3A_11, %dma_start3A_271, %add3A_227, %dma_start3A_275] : memref<50x4x128x1024xf32, #tpu.memory_space<hbm>> -> memref<1x1x1x1024xf32, #tpu.memory_space<hbm>>
      %dma_start3A_277 = tpu.memref_squeeze %dma_start3A_276 : memref<1x1x1x1024xf32, #tpu.memory_space<hbm>> -> memref<1024xf32, #tpu.memory_space<hbm>>
      %dma_start3A_278 = arith.constant 0 : i32
      %dma_start3A_279 = tpu.memref_slice %arg4[%scan3A_11, %dma_start3A_271, %add3A_227, %dma_start3A_278] : memref<50x4x128x1024xf32, #tpu.memory_space<hbm>> -> memref<1x1x1x1024xf32, #tpu.memory_space<hbm>>
      %dma_start3A_280 = tpu.memref_squeeze %dma_start3A_279 : memref<1x1x1x1024xf32, #tpu.memory_space<hbm>> -> memref<1024xf32, #tpu.memory_space<hbm>>
      %dma_start3A_281 = arith.constant 3072 : i32
      %dma_start3A_282 = tpu.memref_slice %arg8[%dma_start3A_270, %dma_start3A_281] : memref<4x4096xf32, #tpu.memory_space<vmem>> -> memref<1x1024xf32, #tpu.memory_space<vmem>>
      %dma_start3A_283 = tpu.memref_squeeze %dma_start3A_282 : memref<1x1024xf32, #tpu.memory_space<vmem>> -> memref<1024xf32, #tpu.memory_space<vmem>>
      tpu.enqueue_dma source(%dma_start3A_283 : memref<1024xf32, #tpu.memory_space<vmem>>) target(%dma_start3A_280 : memref<1024xf32, #tpu.memory_space<hbm>>) target_semaphore(%arg11 : memref<!tpu.dma_semaphore, #tpu.memory_space<semaphore_mem>>)
      %dma_wait3A_284 = arith.constant 3 : i32
      %dma_wait3A_285 = arith.constant 0 : i32
      %dma_wait3A_286 = arith.constant 0 : i32
      %dma_wait3A_287 = tpu.memref_slice %arg6[%dma_wait3A_284, %dma_wait3A_285, %dma_wait3A_286] : memref<4x128x32xf32, #tpu.memory_space<vmem>> -> memref<1x128x32xf32, #tpu.memory_space<vmem>>
      %dma_wait3A_288 = tpu.memref_squeeze %dma_wait3A_287 : memref<1x128x32xf32, #tpu.memory_space<vmem>> -> memref<128x32xf32, #tpu.memory_space<vmem>>
      %dma_wait3A_289 = arith.constant 384 : i32
      %dma_wait3A_290 = tpu.memref_slice %arg5[%scan3A_11, %dma_wait3A_289] : memref<50x512xi32, #tpu.memory_space<vmem>> -> memref<1x128xi32, #tpu.memory_space<vmem>>
      %dma_wait3A_291 = tpu.memref_squeeze %dma_wait3A_290 : memref<1x128xi32, #tpu.memory_space<vmem>> -> memref<128xi32, #tpu.memory_space<vmem>>
      %dma_wait3A_292 = arith.constant 0 : i32
      %dma_wait3A_293 = arith.constant 0 : i32
      %dma_wait3A_294 = tpu.memref_slice %arg3[%dma_wait3A_292, %dma_wait3A_293] : memref<1000000x32xf32, #tpu.memory_space<hbm>> -> memref<1000000x32xf32, #tpu.memory_space<hbm>>
      tpu.wait_indirect_dma semaphore(%arg9 : memref<!tpu.dma_semaphore, #tpu.memory_space<semaphore_mem>>) src(%dma_wait3A_294 : memref<1000000x32xf32, #tpu.memory_space<hbm>>) dst(%dma_wait3A_288 : memref<128x32xf32, #tpu.memory_space<vmem>>)
      %parallel_loop3A_295 = arith.constant 0 : i32
      %parallel_loop3A_296 = arith.constant 128 : i32
      %parallel_loop3A_297 = arith.constant 1 : i32
      scf.for %parallel_loop3A_585 = %parallel_loop3A_295 to %parallel_loop3A_296 step %parallel_loop3A_297  : i32 {
        %parallel_loop3A_586 = arith.constant 33 : i32
        %parallel_loop3A_587 = arith.muli %parallel_loop3A_585, %parallel_loop3A_586 : i32
        %parallel_loop3A_588 = arith.constant 3 : i32
        %parallel_loop3A_589 = arith.constant 0 : i32
        %parallel_loop3A_590 = arith.constant 0 : i32
        %parallel_loop3A_591 = tpu.memref_slice %arg6[%parallel_loop3A_588, %parallel_loop3A_589, %parallel_loop3A_590] : memref<4x128x32xf32, #tpu.memory_space<vmem>> -> memref<1x128x32xf32, #tpu.memory_space<vmem>>
        %parallel_loop3A_592 = tpu.memref_squeeze %parallel_loop3A_591 : memref<1x128x32xf32, #tpu.memory_space<vmem>> -> memref<128x32xf32, #tpu.memory_space<vmem>>
        %parallel_loop3A_593 = arith.index_cast %parallel_loop3A_585 : i32 to index
        %parallel_loop3A_594 = arith.constant 0 : index
        %parallel_loop3A_595 = tpu.vector_load %parallel_loop3A_592[%parallel_loop3A_593, %parallel_loop3A_594] {strides = array<i32>} : memref<128x32xf32, #tpu.memory_space<vmem>>, vector<16xf32>,
        %parallel_loop3A_596 = arith.constant 3 : i32
        %parallel_loop3A_597 = arith.index_cast %parallel_loop3A_596 : i32 to index
        %parallel_loop3A_598 = arith.index_cast %parallel_loop3A_587 : i32 to index
        %parallel_loop3A_599 = tpu.vector_load %arg7[%parallel_loop3A_597, %parallel_loop3A_598] {strides = array<i32>} : memref<4x4224xf32, #tpu.memory_space<vmem>>, vector<16xf32>,
        tpu.vector_store %arg7[%parallel_loop3A_597, %parallel_loop3A_598], %parallel_loop3A_595 {strides = array<i32>} : memref<4x4224xf32, #tpu.memory_space<vmem>>, vector<16xf32>,
        %parallel_loop3A_600 = arith.constant 3 : i32
        %parallel_loop3A_601 = arith.constant 0 : i32
        %parallel_loop3A_602 = arith.constant 0 : i32
        %parallel_loop3A_603 = tpu.memref_slice %arg6[%parallel_loop3A_600, %parallel_loop3A_601, %parallel_loop3A_602] : memref<4x128x32xf32, #tpu.memory_space<vmem>> -> memref<1x128x32xf32, #tpu.memory_space<vmem>>
        %parallel_loop3A_604 = tpu.memref_squeeze %parallel_loop3A_603 : memref<1x128x32xf32, #tpu.memory_space<vmem>> -> memref<128x32xf32, #tpu.memory_space<vmem>>
        %parallel_loop3A_605 = arith.index_cast %parallel_loop3A_585 : i32 to index
        %parallel_loop3A_606 = arith.constant 16 : index
        %parallel_loop3A_607 = tpu.vector_load %parallel_loop3A_604[%parallel_loop3A_605, %parallel_loop3A_606] {strides = array<i32>} : memref<128x32xf32, #tpu.memory_space<vmem>>, vector<16xf32>,
        %parallel_loop3A_608 = arith.constant 16 : i32
        %parallel_loop3A_609 = arith.addi %parallel_loop3A_587, %parallel_loop3A_608 : i32
        %parallel_loop3A_610 = arith.constant 3 : i32
        %parallel_loop3A_611 = arith.index_cast %parallel_loop3A_610 : i32 to index
        %parallel_loop3A_612 = arith.index_cast %parallel_loop3A_609 : i32 to index
        %parallel_loop3A_613 = tpu.vector_load %arg7[%parallel_loop3A_611, %parallel_loop3A_612] {strides = array<i32>} : memref<4x4224xf32, #tpu.memory_space<vmem>>, vector<16xf32>,
        tpu.vector_store %arg7[%parallel_loop3A_611, %parallel_loop3A_612], %parallel_loop3A_607 {strides = array<i32>} : memref<4x4224xf32, #tpu.memory_space<vmem>>, vector<16xf32>,
      } {sc.loop_unroll_factor = 8 : i64, sc.parallel_access}
      %parallel_loop3A_298 = arith.constant 0 : i32
      %parallel_loop3A_299 = arith.constant 256 : i32
      %parallel_loop3A_300 = arith.constant 1 : i32
      scf.for %parallel_loop3A_585 = %parallel_loop3A_298 to %parallel_loop3A_299 step %parallel_loop3A_300  : i32 {
        %parallel_loop3A_586 = arith.constant 3 : i32
        %parallel_loop3A_587 = arith.shrsi %parallel_loop3A_585, %parallel_loop3A_586 : i32
        %parallel_loop3A_588 = arith.constant 7 : i32
        %parallel_loop3A_589 = arith.andi %parallel_loop3A_585, %parallel_loop3A_588 : i32
        %parallel_loop3A_590 = arith.constant 4 : i32
        %parallel_loop3A_591 = arith.shli %parallel_loop3A_589, %parallel_loop3A_590 : i32
        %parallel_loop3A_592 = arith.constant 33 : i32
        %parallel_loop3A_593 = arith.muli %parallel_loop3A_591, %parallel_loop3A_592 : i32
        %parallel_loop3A_594 = arith.addi %parallel_loop3A_593, %parallel_loop3A_587 : i32
        %parallel_loop3A_595 = vector.broadcast %parallel_loop3A_594 : i32 to vector<16xi32>
        %parallel_loop3A_596 = arith.addi %mul3A_5, %parallel_loop3A_595 : vector<16xi32>
        %parallel_loop3A_597 = arith.constant 3 : i32
        %parallel_loop3A_598 = arith.shrsi %parallel_loop3A_587, %parallel_loop3A_597 : i32
        %parallel_loop3A_599 = arith.constant 10 : i32
        %parallel_loop3A_600 = arith.shli %parallel_loop3A_598, %parallel_loop3A_599 : i32
        %parallel_loop3A_601 = arith.constant 7 : i32
        %parallel_loop3A_602 = arith.andi %parallel_loop3A_587, %parallel_loop3A_601 : i32
        %parallel_loop3A_603 = arith.constant 7 : i32
        %parallel_loop3A_604 = arith.shli %parallel_loop3A_602, %parallel_loop3A_603 : i32
        %parallel_loop3A_605 = arith.addi %parallel_loop3A_600, %parallel_loop3A_604 : i32
        %parallel_loop3A_606 = arith.constant 4 : i32
        %parallel_loop3A_607 = arith.shli %parallel_loop3A_589, %parallel_loop3A_606 : i32
        %parallel_loop3A_608 = arith.addi %parallel_loop3A_605, %parallel_loop3A_607 : i32
        %parallel_loop3A_609 = arith.constant 3 : i32
        %parallel_loop3A_610 = arith.constant 0 : i32
        %parallel_loop3A_611 = tpu.memref_slice %arg7[%parallel_loop3A_609, %parallel_loop3A_610] : memref<4x4224xf32, #tpu.memory_space<vmem>> -> memref<1x4224xf32, #tpu.memory_space<vmem>>
        %parallel_loop3A_612 = tpu.memref_squeeze %parallel_loop3A_611 : memref<1x4224xf32, #tpu.memory_space<vmem>> -> memref<4224xf32, #tpu.memory_space<vmem>>
        %parallel_loop3A_613 = tpu.vector_load_idx %parallel_loop3A_612[%parallel_loop3A_596] : memref<4224xf32, #tpu.memory_space<vmem>>[vector<16xi32>], vector<16xf32>,
        %parallel_loop3A_614 = arith.constant 3 : i32
        %parallel_loop3A_615 = arith.index_cast %parallel_loop3A_614 : i32 to index
        %parallel_loop3A_616 = arith.index_cast %parallel_loop3A_608 : i32 to index
        %parallel_loop3A_617 = tpu.vector_load %arg8[%parallel_loop3A_615, %parallel_loop3A_616] {strides = array<i32>} : memref<4x4096xf32, #tpu.memory_space<vmem>>, vector<16xf32>,
        tpu.vector_store %arg8[%parallel_loop3A_615, %parallel_loop3A_616], %parallel_loop3A_613 {strides = array<i32>} : memref<4x4096xf32, #tpu.memory_space<vmem>>, vector<16xf32>,
      } {sc.loop_unroll_factor = 16 : i64, sc.parallel_access}
      %mul3A_301 = arith.constant 4 : i32
      %mul3A_302 = arith.muli %add3A, %mul3A_301 : i32
      %add3A_303 = arith.constant 3 : i32
      %add3A_304 = arith.addi %mul3A_302, %add3A_303 : i32
      %dma_start3A_305 = arith.constant 3 : i32
      %dma_start3A_306 = arith.constant 0 : i32
      %dma_start3A_307 = arith.constant 0 : i32
      %dma_start3A_308 = tpu.memref_slice %arg8[%dma_start3A_305, %dma_start3A_307] : memref<4x4096xf32, #tpu.memory_space<vmem>> -> memref<1x1024xf32, #tpu.memory_space<vmem>>
      %dma_start3A_309 = tpu.memref_squeeze %dma_start3A_308 : memref<1x1024xf32, #tpu.memory_space<vmem>> -> memref<1024xf32, #tpu.memory_space<vmem>>
      %dma_start3A_310 = arith.constant 0 : i32
      %dma_start3A_311 = tpu.memref_slice %arg4[%scan3A_11, %dma_start3A_306, %add3A_304, %dma_start3A_310] : memref<50x4x128x1024xf32, #tpu.memory_space<hbm>> -> memref<1x1x1x1024xf32, #tpu.memory_space<hbm>>
      %dma_start3A_312 = tpu.memref_squeeze %dma_start3A_311 : memref<1x1x1x1024xf32, #tpu.memory_space<hbm>> -> memref<1024xf32, #tpu.memory_space<hbm>>
      %dma_start3A_313 = arith.constant 0 : i32
      %dma_start3A_314 = tpu.memref_slice %arg4[%scan3A_11, %dma_start3A_306, %add3A_304, %dma_start3A_313] : memref<50x4x128x1024xf32, #tpu.memory_space<hbm>> -> memref<1x1x1x1024xf32, #tpu.memory_space<hbm>>
      %dma_start3A_315 = tpu.memref_squeeze %dma_start3A_314 : memref<1x1x1x1024xf32, #tpu.memory_space<hbm>> -> memref<1024xf32, #tpu.memory_space<hbm>>
      %dma_start3A_316 = arith.constant 0 : i32
      %dma_start3A_317 = tpu.memref_slice %arg8[%dma_start3A_305, %dma_start3A_316] : memref<4x4096xf32, #tpu.memory_space<vmem>> -> memref<1x1024xf32, #tpu.memory_space<vmem>>
      %dma_start3A_318 = tpu.memref_squeeze %dma_start3A_317 : memref<1x1024xf32, #tpu.memory_space<vmem>> -> memref<1024xf32, #tpu.memory_space<vmem>>
      tpu.enqueue_dma source(%dma_start3A_318 : memref<1024xf32, #tpu.memory_space<vmem>>) target(%dma_start3A_315 : memref<1024xf32, #tpu.memory_space<hbm>>) target_semaphore(%arg11 : memref<!tpu.dma_semaphore, #tpu.memory_space<semaphore_mem>>)
      %dma_start3A_319 = arith.constant 3 : i32
      %dma_start3A_320 = arith.constant 1 : i32
      %dma_start3A_321 = arith.constant 1024 : i32
      %dma_start3A_322 = tpu.memref_slice %arg8[%dma_start3A_319, %dma_start3A_321] : memref<4x4096xf32, #tpu.memory_space<vmem>> -> memref<1x1024xf32, #tpu.memory_space<vmem>>
      %dma_start3A_323 = tpu.memref_squeeze %dma_start3A_322 : memref<1x1024xf32, #tpu.memory_space<vmem>> -> memref<1024xf32, #tpu.memory_space<vmem>>
      %dma_start3A_324 = arith.constant 0 : i32
      %dma_start3A_325 = tpu.memref_slice %arg4[%scan3A_11, %dma_start3A_320, %add3A_304, %dma_start3A_324] : memref<50x4x128x1024xf32, #tpu.memory_space<hbm>> -> memref<1x1x1x1024xf32, #tpu.memory_space<hbm>>
      %dma_start3A_326 = tpu.memref_squeeze %dma_start3A_325 : memref<1x1x1x1024xf32, #tpu.memory_space<hbm>> -> memref<1024xf32, #tpu.memory_space<hbm>>
      %dma_start3A_327 = arith.constant 0 : i32
      %dma_start3A_328 = tpu.memref_slice %arg4[%scan3A_11, %dma_start3A_320, %add3A_304, %dma_start3A_327] : memref<50x4x128x1024xf32, #tpu.memory_space<hbm>> -> memref<1x1x1x1024xf32, #tpu.memory_space<hbm>>
      %dma_start3A_329 = tpu.memref_squeeze %dma_start3A_328 : memref<1x1x1x1024xf32, #tpu.memory_space<hbm>> -> memref<1024xf32, #tpu.memory_space<hbm>>
      %dma_start3A_330 = arith.constant 1024 : i32
      %dma_start3A_331 = tpu.memref_slice %arg8[%dma_start3A_319, %dma_start3A_330] : memref<4x4096xf32, #tpu.memory_space<vmem>> -> memref<1x1024xf32, #tpu.memory_space<vmem>>
      %dma_start3A_332 = tpu.memref_squeeze %dma_start3A_331 : memref<1x1024xf32, #tpu.memory_space<vmem>> -> memref<1024xf32, #tpu.memory_space<vmem>>
      tpu.enqueue_dma source(%dma_start3A_332 : memref<1024xf32, #tpu.memory_space<vmem>>) target(%dma_start3A_329 : memref<1024xf32, #tpu.memory_space<hbm>>) target_semaphore(%arg11 : memref<!tpu.dma_semaphore, #tpu.memory_space<semaphore_mem>>)
      %dma_start3A_333 = arith.constant 3 : i32
      %dma_start3A_334 = arith.constant 2 : i32
      %dma_start3A_335 = arith.constant 2048 : i32
      %dma_start3A_336 = tpu.memref_slice %arg8[%dma_start3A_333, %dma_start3A_335] : memref<4x4096xf32, #tpu.memory_space<vmem>> -> memref<1x1024xf32, #tpu.memory_space<vmem>>
      %dma_start3A_337 = tpu.memref_squeeze %dma_start3A_336 : memref<1x1024xf32, #tpu.memory_space<vmem>> -> memref<1024xf32, #tpu.memory_space<vmem>>
      %dma_start3A_338 = arith.constant 0 : i32
      %dma_start3A_339 = tpu.memref_slice %arg4[%scan3A_11, %dma_start3A_334, %add3A_304, %dma_start3A_338] : memref<50x4x128x1024xf32, #tpu.memory_space<hbm>> -> memref<1x1x1x1024xf32, #tpu.memory_space<hbm>>
      %dma_start3A_340 = tpu.memref_squeeze %dma_start3A_339 : memref<1x1x1x1024xf32, #tpu.memory_space<hbm>> -> memref<1024xf32, #tpu.memory_space<hbm>>
      %dma_start3A_341 = arith.constant 0 : i32
      %dma_start3A_342 = tpu.memref_slice %arg4[%scan3A_11, %dma_start3A_334, %add3A_304, %dma_start3A_341] : memref<50x4x128x1024xf32, #tpu.memory_space<hbm>> -> memref<1x1x1x1024xf32, #tpu.memory_space<hbm>>
      %dma_start3A_343 = tpu.memref_squeeze %dma_start3A_342 : memref<1x1x1x1024xf32, #tpu.memory_space<hbm>> -> memref<1024xf32, #tpu.memory_space<hbm>>
      %dma_start3A_344 = arith.constant 2048 : i32
      %dma_start3A_345 = tpu.memref_slice %arg8[%dma_start3A_333, %dma_start3A_344] : memref<4x4096xf32, #tpu.memory_space<vmem>> -> memref<1x1024xf32, #tpu.memory_space<vmem>>
      %dma_start3A_346 = tpu.memref_squeeze %dma_start3A_345 : memref<1x1024xf32, #tpu.memory_space<vmem>> -> memref<1024xf32, #tpu.memory_space<vmem>>
      tpu.enqueue_dma source(%dma_start3A_346 : memref<1024xf32, #tpu.memory_space<vmem>>) target(%dma_start3A_343 : memref<1024xf32, #tpu.memory_space<hbm>>) target_semaphore(%arg11 : memref<!tpu.dma_semaphore, #tpu.memory_space<semaphore_mem>>)
      %dma_start3A_347 = arith.constant 3 : i32
      %dma_start3A_348 = arith.constant 3 : i32
      %dma_start3A_349 = arith.constant 3072 : i32
      %dma_start3A_350 = tpu.memref_slice %arg8[%dma_start3A_347, %dma_start3A_349] : memref<4x4096xf32, #tpu.memory_space<vmem>> -> memref<1x1024xf32, #tpu.memory_space<vmem>>
      %dma_start3A_351 = tpu.memref_squeeze %dma_start3A_350 : memref<1x1024xf32, #tpu.memory_space<vmem>> -> memref<1024xf32, #tpu.memory_space<vmem>>
      %dma_start3A_352 = arith.constant 0 : i32
      %dma_start3A_353 = tpu.memref_slice %arg4[%scan3A_11, %dma_start3A_348, %add3A_304, %dma_start3A_352] : memref<50x4x128x1024xf32, #tpu.memory_space<hbm>> -> memref<1x1x1x1024xf32, #tpu.memory_space<hbm>>
      %dma_start3A_354 = tpu.memref_squeeze %dma_start3A_353 : memref<1x1x1x1024xf32, #tpu.memory_space<hbm>> -> memref<1024xf32, #tpu.memory_space<hbm>>
      %dma_start3A_355 = arith.constant 0 : i32
      %dma_start3A_356 = tpu.memref_slice %arg4[%scan3A_11, %dma_start3A_348, %add3A_304, %dma_start3A_355] : memref<50x4x128x1024xf32, #tpu.memory_space<hbm>> -> memref<1x1x1x1024xf32, #tpu.memory_space<hbm>>
      %dma_start3A_357 = tpu.memref_squeeze %dma_start3A_356 : memref<1x1x1x1024xf32, #tpu.memory_space<hbm>> -> memref<1024xf32, #tpu.memory_space<hbm>>
      %dma_start3A_358 = arith.constant 3072 : i32
      %dma_start3A_359 = tpu.memref_slice %arg8[%dma_start3A_347, %dma_start3A_358] : memref<4x4096xf32, #tpu.memory_space<vmem>> -> memref<1x1024xf32, #tpu.memory_space<vmem>>
      %dma_start3A_360 = tpu.memref_squeeze %dma_start3A_359 : memref<1x1024xf32, #tpu.memory_space<vmem>> -> memref<1024xf32, #tpu.memory_space<vmem>>
      tpu.enqueue_dma source(%dma_start3A_360 : memref<1024xf32, #tpu.memory_space<vmem>>) target(%dma_start3A_357 : memref<1024xf32, #tpu.memory_space<hbm>>) target_semaphore(%arg11 : memref<!tpu.dma_semaphore, #tpu.memory_space<semaphore_mem>>)
      %dma_wait3A_361 = arith.constant 0 : i32
      %dma_wait3A_362 = arith.constant 0 : i32
      %dma_wait3A_363 = arith.constant 0 : i32
      %dma_wait3A_364 = tpu.memref_slice %arg8[%dma_wait3A_361, %dma_wait3A_363] : memref<4x4096xf32, #tpu.memory_space<vmem>> -> memref<1x1024xf32, #tpu.memory_space<vmem>>
      %dma_wait3A_365 = tpu.memref_squeeze %dma_wait3A_364 : memref<1x1024xf32, #tpu.memory_space<vmem>> -> memref<1024xf32, #tpu.memory_space<vmem>>
      %dma_wait3A_366 = arith.constant 0 : i32
      %dma_wait3A_367 = tpu.memref_slice %arg4[%scan3A_11, %dma_wait3A_362, %add3A_73, %dma_wait3A_366] : memref<50x4x128x1024xf32, #tpu.memory_space<hbm>> -> memref<1x1x1x1024xf32, #tpu.memory_space<hbm>>
      %dma_wait3A_368 = tpu.memref_squeeze %dma_wait3A_367 : memref<1x1x1x1024xf32, #tpu.memory_space<hbm>> -> memref<1024xf32, #tpu.memory_space<hbm>>
      %dma_wait3A_369 = arith.constant 0 : i32
      %dma_wait3A_370 = tpu.memref_slice %arg4[%scan3A_11, %dma_wait3A_362, %add3A_73, %dma_wait3A_369] : memref<50x4x128x1024xf32, #tpu.memory_space<hbm>> -> memref<1x1x1x1024xf32, #tpu.memory_space<hbm>>
      %dma_wait3A_371 = tpu.memref_squeeze %dma_wait3A_370 : memref<1x1x1x1024xf32, #tpu.memory_space<hbm>> -> memref<1024xf32, #tpu.memory_space<hbm>>
      %dma_wait3A_372 = arith.constant 0 : i32
      %dma_wait3A_373 = tpu.memref_slice %arg8[%dma_wait3A_361, %dma_wait3A_372] : memref<4x4096xf32, #tpu.memory_space<vmem>> -> memref<1x1024xf32, #tpu.memory_space<vmem>>
      %dma_wait3A_374 = tpu.memref_squeeze %dma_wait3A_373 : memref<1x1024xf32, #tpu.memory_space<vmem>> -> memref<1024xf32, #tpu.memory_space<vmem>>
      tpu.wait_dma2 semaphore(%arg11 : memref<!tpu.dma_semaphore, #tpu.memory_space<semaphore_mem>>) src(%dma_wait3A_374 : memref<1024xf32, #tpu.memory_space<vmem>>) dst(%dma_wait3A_371 : memref<1024xf32, #tpu.memory_space<hbm>>)
      %dma_wait3A_375 = arith.constant 0 : i32
      %dma_wait3A_376 = arith.constant 1 : i32
      %dma_wait3A_377 = arith.constant 1024 : i32
      %dma_wait3A_378 = tpu.memref_slice %arg8[%dma_wait3A_375, %dma_wait3A_377] : memref<4x4096xf32, #tpu.memory_space<vmem>> -> memref<1x1024xf32, #tpu.memory_space<vmem>>
      %dma_wait3A_379 = tpu.memref_squeeze %dma_wait3A_378 : memref<1x1024xf32, #tpu.memory_space<vmem>> -> memref<1024xf32, #tpu.memory_space<vmem>>
      %dma_wait3A_380 = arith.constant 0 : i32
      %dma_wait3A_381 = tpu.memref_slice %arg4[%scan3A_11, %dma_wait3A_376, %add3A_73, %dma_wait3A_380] : memref<50x4x128x1024xf32, #tpu.memory_space<hbm>> -> memref<1x1x1x1024xf32, #tpu.memory_space<hbm>>
      %dma_wait3A_382 = tpu.memref_squeeze %dma_wait3A_381 : memref<1x1x1x1024xf32, #tpu.memory_space<hbm>> -> memref<1024xf32, #tpu.memory_space<hbm>>
      %dma_wait3A_383 = arith.constant 0 : i32
      %dma_wait3A_384 = tpu.memref_slice %arg4[%scan3A_11, %dma_wait3A_376, %add3A_73, %dma_wait3A_383] : memref<50x4x128x1024xf32, #tpu.memory_space<hbm>> -> memref<1x1x1x1024xf32, #tpu.memory_space<hbm>>
      %dma_wait3A_385 = tpu.memref_squeeze %dma_wait3A_384 : memref<1x1x1x1024xf32, #tpu.memory_space<hbm>> -> memref<1024xf32, #tpu.memory_space<hbm>>
      %dma_wait3A_386 = arith.constant 1024 : i32
      %dma_wait3A_387 = tpu.memref_slice %arg8[%dma_wait3A_375, %dma_wait3A_386] : memref<4x4096xf32, #tpu.memory_space<vmem>> -> memref<1x1024xf32, #tpu.memory_space<vmem>>
      %dma_wait3A_388 = tpu.memref_squeeze %dma_wait3A_387 : memref<1x1024xf32, #tpu.memory_space<vmem>> -> memref<1024xf32, #tpu.memory_space<vmem>>
      tpu.wait_dma2 semaphore(%arg11 : memref<!tpu.dma_semaphore, #tpu.memory_space<semaphore_mem>>) src(%dma_wait3A_388 : memref<1024xf32, #tpu.memory_space<vmem>>) dst(%dma_wait3A_385 : memref<1024xf32, #tpu.memory_space<hbm>>)
      %dma_wait3A_389 = arith.constant 0 : i32
      %dma_wait3A_390 = arith.constant 2 : i32
      %dma_wait3A_391 = arith.constant 2048 : i32
      %dma_wait3A_392 = tpu.memref_slice %arg8[%dma_wait3A_389, %dma_wait3A_391] : memref<4x4096xf32, #tpu.memory_space<vmem>> -> memref<1x1024xf32, #tpu.memory_space<vmem>>
      %dma_wait3A_393 = tpu.memref_squeeze %dma_wait3A_392 : memref<1x1024xf32, #tpu.memory_space<vmem>> -> memref<1024xf32, #tpu.memory_space<vmem>>
      %dma_wait3A_394 = arith.constant 0 : i32
      %dma_wait3A_395 = tpu.memref_slice %arg4[%scan3A_11, %dma_wait3A_390, %add3A_73, %dma_wait3A_394] : memref<50x4x128x1024xf32, #tpu.memory_space<hbm>> -> memref<1x1x1x1024xf32, #tpu.memory_space<hbm>>
      %dma_wait3A_396 = tpu.memref_squeeze %dma_wait3A_395 : memref<1x1x1x1024xf32, #tpu.memory_space<hbm>> -> memref<1024xf32, #tpu.memory_space<hbm>>
      %dma_wait3A_397 = arith.constant 0 : i32
      %dma_wait3A_398 = tpu.memref_slice %arg4[%scan3A_11, %dma_wait3A_390, %add3A_73, %dma_wait3A_397] : memref<50x4x128x1024xf32, #tpu.memory_space<hbm>> -> memref<1x1x1x1024xf32, #tpu.memory_space<hbm>>
      %dma_wait3A_399 = tpu.memref_squeeze %dma_wait3A_398 : memref<1x1x1x1024xf32, #tpu.memory_space<hbm>> -> memref<1024xf32, #tpu.memory_space<hbm>>
      %dma_wait3A_400 = arith.constant 2048 : i32
      %dma_wait3A_401 = tpu.memref_slice %arg8[%dma_wait3A_389, %dma_wait3A_400] : memref<4x4096xf32, #tpu.memory_space<vmem>> -> memref<1x1024xf32, #tpu.memory_space<vmem>>
      %dma_wait3A_402 = tpu.memref_squeeze %dma_wait3A_401 : memref<1x1024xf32, #tpu.memory_space<vmem>> -> memref<1024xf32, #tpu.memory_space<vmem>>
      tpu.wait_dma2 semaphore(%arg11 : memref<!tpu.dma_semaphore, #tpu.memory_space<semaphore_mem>>) src(%dma_wait3A_402 : memref<1024xf32, #tpu.memory_space<vmem>>) dst(%dma_wait3A_399 : memref<1024xf32, #tpu.memory_space<hbm>>)
      %dma_wait3A_403 = arith.constant 0 : i32
      %dma_wait3A_404 = arith.constant 3 : i32
      %dma_wait3A_405 = arith.constant 3072 : i32
      %dma_wait3A_406 = tpu.memref_slice %arg8[%dma_wait3A_403, %dma_wait3A_405] : memref<4x4096xf32, #tpu.memory_space<vmem>> -> memref<1x1024xf32, #tpu.memory_space<vmem>>
      %dma_wait3A_407 = tpu.memref_squeeze %dma_wait3A_406 : memref<1x1024xf32, #tpu.memory_space<vmem>> -> memref<1024xf32, #tpu.memory_space<vmem>>
      %dma_wait3A_408 = arith.constant 0 : i32
      %dma_wait3A_409 = tpu.memref_slice %arg4[%scan3A_11, %dma_wait3A_404, %add3A_73, %dma_wait3A_408] : memref<50x4x128x1024xf32, #tpu.memory_space<hbm>> -> memref<1x1x1x1024xf32, #tpu.memory_space<hbm>>
      %dma_wait3A_410 = tpu.memref_squeeze %dma_wait3A_409 : memref<1x1x1x1024xf32, #tpu.memory_space<hbm>> -> memref<1024xf32, #tpu.memory_space<hbm>>
      %dma_wait3A_411 = arith.constant 0 : i32
      %dma_wait3A_412 = tpu.memref_slice %arg4[%scan3A_11, %dma_wait3A_404, %add3A_73, %dma_wait3A_411] : memref<50x4x128x1024xf32, #tpu.memory_space<hbm>> -> memref<1x1x1x1024xf32, #tpu.memory_space<hbm>>
      %dma_wait3A_413 = tpu.memref_squeeze %dma_wait3A_412 : memref<1x1x1x1024xf32, #tpu.memory_space<hbm>> -> memref<1024xf32, #tpu.memory_space<hbm>>
      %dma_wait3A_414 = arith.constant 3072 : i32
      %dma_wait3A_415 = tpu.memref_slice %arg8[%dma_wait3A_403, %dma_wait3A_414] : memref<4x4096xf32, #tpu.memory_space<vmem>> -> memref<1x1024xf32, #tpu.memory_space<vmem>>
      %dma_wait3A_416 = tpu.memref_squeeze %dma_wait3A_415 : memref<1x1024xf32, #tpu.memory_space<vmem>> -> memref<1024xf32, #tpu.memory_space<vmem>>
      tpu.wait_dma2 semaphore(%arg11 : memref<!tpu.dma_semaphore, #tpu.memory_space<semaphore_mem>>) src(%dma_wait3A_416 : memref<1024xf32, #tpu.memory_space<vmem>>) dst(%dma_wait3A_413 : memref<1024xf32, #tpu.memory_space<hbm>>)
      %dma_wait3A_417 = arith.constant 1 : i32
      %dma_wait3A_418 = arith.constant 0 : i32
      %dma_wait3A_419 = arith.constant 0 : i32
      %dma_wait3A_420 = tpu.memref_slice %arg8[%dma_wait3A_417, %dma_wait3A_419] : memref<4x4096xf32, #tpu.memory_space<vmem>> -> memref<1x1024xf32, #tpu.memory_space<vmem>>
      %dma_wait3A_421 = tpu.memref_squeeze %dma_wait3A_420 : memref<1x1024xf32, #tpu.memory_space<vmem>> -> memref<1024xf32, #tpu.memory_space<vmem>>
      %dma_wait3A_422 = arith.constant 0 : i32
      %dma_wait3A_423 = tpu.memref_slice %arg4[%scan3A_11, %dma_wait3A_418, %add3A_150, %dma_wait3A_422] : memref<50x4x128x1024xf32, #tpu.memory_space<hbm>> -> memref<1x1x1x1024xf32, #tpu.memory_space<hbm>>
      %dma_wait3A_424 = tpu.memref_squeeze %dma_wait3A_423 : memref<1x1x1x1024xf32, #tpu.memory_space<hbm>> -> memref<1024xf32, #tpu.memory_space<hbm>>
      %dma_wait3A_425 = arith.constant 0 : i32
      %dma_wait3A_426 = tpu.memref_slice %arg4[%scan3A_11, %dma_wait3A_418, %add3A_150, %dma_wait3A_425] : memref<50x4x128x1024xf32, #tpu.memory_space<hbm>> -> memref<1x1x1x1024xf32, #tpu.memory_space<hbm>>
      %dma_wait3A_427 = tpu.memref_squeeze %dma_wait3A_426 : memref<1x1x1x1024xf32, #tpu.memory_space<hbm>> -> memref<1024xf32, #tpu.memory_space<hbm>>
      %dma_wait3A_428 = arith.constant 0 : i32
      %dma_wait3A_429 = tpu.memref_slice %arg8[%dma_wait3A_417, %dma_wait3A_428] : memref<4x4096xf32, #tpu.memory_space<vmem>> -> memref<1x1024xf32, #tpu.memory_space<vmem>>
      %dma_wait3A_430 = tpu.memref_squeeze %dma_wait3A_429 : memref<1x1024xf32, #tpu.memory_space<vmem>> -> memref<1024xf32, #tpu.memory_space<vmem>>
      tpu.wait_dma2 semaphore(%arg11 : memref<!tpu.dma_semaphore, #tpu.memory_space<semaphore_mem>>) src(%dma_wait3A_430 : memref<1024xf32, #tpu.memory_space<vmem>>) dst(%dma_wait3A_427 : memref<1024xf32, #tpu.memory_space<hbm>>)
      %dma_wait3A_431 = arith.constant 1 : i32
      %dma_wait3A_432 = arith.constant 1 : i32
      %dma_wait3A_433 = arith.constant 1024 : i32
      %dma_wait3A_434 = tpu.memref_slice %arg8[%dma_wait3A_431, %dma_wait3A_433] : memref<4x4096xf32, #tpu.memory_space<vmem>> -> memref<1x1024xf32, #tpu.memory_space<vmem>>
      %dma_wait3A_435 = tpu.memref_squeeze %dma_wait3A_434 : memref<1x1024xf32, #tpu.memory_space<vmem>> -> memref<1024xf32, #tpu.memory_space<vmem>>
      %dma_wait3A_436 = arith.constant 0 : i32
      %dma_wait3A_437 = tpu.memref_slice %arg4[%scan3A_11, %dma_wait3A_432, %add3A_150, %dma_wait3A_436] : memref<50x4x128x1024xf32, #tpu.memory_space<hbm>> -> memref<1x1x1x1024xf32, #tpu.memory_space<hbm>>
      %dma_wait3A_438 = tpu.memref_squeeze %dma_wait3A_437 : memref<1x1x1x1024xf32, #tpu.memory_space<hbm>> -> memref<1024xf32, #tpu.memory_space<hbm>>
      %dma_wait3A_439 = arith.constant 0 : i32
      %dma_wait3A_440 = tpu.memref_slice %arg4[%scan3A_11, %dma_wait3A_432, %add3A_150, %dma_wait3A_439] : memref<50x4x128x1024xf32, #tpu.memory_space<hbm>> -> memref<1x1x1x1024xf32, #tpu.memory_space<hbm>>
      %dma_wait3A_441 = tpu.memref_squeeze %dma_wait3A_440 : memref<1x1x1x1024xf32, #tpu.memory_space<hbm>> -> memref<1024xf32, #tpu.memory_space<hbm>>
      %dma_wait3A_442 = arith.constant 1024 : i32
      %dma_wait3A_443 = tpu.memref_slice %arg8[%dma_wait3A_431, %dma_wait3A_442] : memref<4x4096xf32, #tpu.memory_space<vmem>> -> memref<1x1024xf32, #tpu.memory_space<vmem>>
      %dma_wait3A_444 = tpu.memref_squeeze %dma_wait3A_443 : memref<1x1024xf32, #tpu.memory_space<vmem>> -> memref<1024xf32, #tpu.memory_space<vmem>>
      tpu.wait_dma2 semaphore(%arg11 : memref<!tpu.dma_semaphore, #tpu.memory_space<semaphore_mem>>) src(%dma_wait3A_444 : memref<1024xf32, #tpu.memory_space<vmem>>) dst(%dma_wait3A_441 : memref<1024xf32, #tpu.memory_space<hbm>>)
      %dma_wait3A_445 = arith.constant 1 : i32
      %dma_wait3A_446 = arith.constant 2 : i32
      %dma_wait3A_447 = arith.constant 2048 : i32
      %dma_wait3A_448 = tpu.memref_slice %arg8[%dma_wait3A_445, %dma_wait3A_447] : memref<4x4096xf32, #tpu.memory_space<vmem>> -> memref<1x1024xf32, #tpu.memory_space<vmem>>
      %dma_wait3A_449 = tpu.memref_squeeze %dma_wait3A_448 : memref<1x1024xf32, #tpu.memory_space<vmem>> -> memref<1024xf32, #tpu.memory_space<vmem>>
      %dma_wait3A_450 = arith.constant 0 : i32
      %dma_wait3A_451 = tpu.memref_slice %arg4[%scan3A_11, %dma_wait3A_446, %add3A_150, %dma_wait3A_450] : memref<50x4x128x1024xf32, #tpu.memory_space<hbm>> -> memref<1x1x1x1024xf32, #tpu.memory_space<hbm>>
      %dma_wait3A_452 = tpu.memref_squeeze %dma_wait3A_451 : memref<1x1x1x1024xf32, #tpu.memory_space<hbm>> -> memref<1024xf32, #tpu.memory_space<hbm>>
      %dma_wait3A_453 = arith.constant 0 : i32
      %dma_wait3A_454 = tpu.memref_slice %arg4[%scan3A_11, %dma_wait3A_446, %add3A_150, %dma_wait3A_453] : memref<50x4x128x1024xf32, #tpu.memory_space<hbm>> -> memref<1x1x1x1024xf32, #tpu.memory_space<hbm>>
      %dma_wait3A_455 = tpu.memref_squeeze %dma_wait3A_454 : memref<1x1x1x1024xf32, #tpu.memory_space<hbm>> -> memref<1024xf32, #tpu.memory_space<hbm>>
      %dma_wait3A_456 = arith.constant 2048 : i32
      %dma_wait3A_457 = tpu.memref_slice %arg8[%dma_wait3A_445, %dma_wait3A_456] : memref<4x4096xf32, #tpu.memory_space<vmem>> -> memref<1x1024xf32, #tpu.memory_space<vmem>>
      %dma_wait3A_458 = tpu.memref_squeeze %dma_wait3A_457 : memref<1x1024xf32, #tpu.memory_space<vmem>> -> memref<1024xf32, #tpu.memory_space<vmem>>
      tpu.wait_dma2 semaphore(%arg11 : memref<!tpu.dma_semaphore, #tpu.memory_space<semaphore_mem>>) src(%dma_wait3A_458 : memref<1024xf32, #tpu.memory_space<vmem>>) dst(%dma_wait3A_455 : memref<1024xf32, #tpu.memory_space<hbm>>)
      %dma_wait3A_459 = arith.constant 1 : i32
      %dma_wait3A_460 = arith.constant 3 : i32
      %dma_wait3A_461 = arith.constant 3072 : i32
      %dma_wait3A_462 = tpu.memref_slice %arg8[%dma_wait3A_459, %dma_wait3A_461] : memref<4x4096xf32, #tpu.memory_space<vmem>> -> memref<1x1024xf32, #tpu.memory_space<vmem>>
      %dma_wait3A_463 = tpu.memref_squeeze %dma_wait3A_462 : memref<1x1024xf32, #tpu.memory_space<vmem>> -> memref<1024xf32, #tpu.memory_space<vmem>>
      %dma_wait3A_464 = arith.constant 0 : i32
      %dma_wait3A_465 = tpu.memref_slice %arg4[%scan3A_11, %dma_wait3A_460, %add3A_150, %dma_wait3A_464] : memref<50x4x128x1024xf32, #tpu.memory_space<hbm>> -> memref<1x1x1x1024xf32, #tpu.memory_space<hbm>>
      %dma_wait3A_466 = tpu.memref_squeeze %dma_wait3A_465 : memref<1x1x1x1024xf32, #tpu.memory_space<hbm>> -> memref<1024xf32, #tpu.memory_space<hbm>>
      %dma_wait3A_467 = arith.constant 0 : i32
      %dma_wait3A_468 = tpu.memref_slice %arg4[%scan3A_11, %dma_wait3A_460, %add3A_150, %dma_wait3A_467] : memref<50x4x128x1024xf32, #tpu.memory_space<hbm>> -> memref<1x1x1x1024xf32, #tpu.memory_space<hbm>>
      %dma_wait3A_469 = tpu.memref_squeeze %dma_wait3A_468 : memref<1x1x1x1024xf32, #tpu.memory_space<hbm>> -> memref<1024xf32, #tpu.memory_space<hbm>>
      %dma_wait3A_470 = arith.constant 3072 : i32
      %dma_wait3A_471 = tpu.memref_slice %arg8[%dma_wait3A_459, %dma_wait3A_470] : memref<4x4096xf32, #tpu.memory_space<vmem>> -> memref<1x1024xf32, #tpu.memory_space<vmem>>
      %dma_wait3A_472 = tpu.memref_squeeze %dma_wait3A_471 : memref<1x1024xf32, #tpu.memory_space<vmem>> -> memref<1024xf32, #tpu.memory_space<vmem>>
      tpu.wait_dma2 semaphore(%arg11 : memref<!tpu.dma_semaphore, #tpu.memory_space<semaphore_mem>>) src(%dma_wait3A_472 : memref<1024xf32, #tpu.memory_space<vmem>>) dst(%dma_wait3A_469 : memref<1024xf32, #tpu.memory_space<hbm>>)
      %dma_wait3A_473 = arith.constant 2 : i32
      %dma_wait3A_474 = arith.constant 0 : i32
      %dma_wait3A_475 = arith.constant 0 : i32
      %dma_wait3A_476 = tpu.memref_slice %arg8[%dma_wait3A_473, %dma_wait3A_475] : memref<4x4096xf32, #tpu.memory_space<vmem>> -> memref<1x1024xf32, #tpu.memory_space<vmem>>
      %dma_wait3A_477 = tpu.memref_squeeze %dma_wait3A_476 : memref<1x1024xf32, #tpu.memory_space<vmem>> -> memref<1024xf32, #tpu.memory_space<vmem>>
      %dma_wait3A_478 = arith.constant 0 : i32
      %dma_wait3A_479 = tpu.memref_slice %arg4[%scan3A_11, %dma_wait3A_474, %add3A_227, %dma_wait3A_478] : memref<50x4x128x1024xf32, #tpu.memory_space<hbm>> -> memref<1x1x1x1024xf32, #tpu.memory_space<hbm>>
      %dma_wait3A_480 = tpu.memref_squeeze %dma_wait3A_479 : memref<1x1x1x1024xf32, #tpu.memory_space<hbm>> -> memref<1024xf32, #tpu.memory_space<hbm>>
      %dma_wait3A_481 = arith.constant 0 : i32
      %dma_wait3A_482 = tpu.memref_slice %arg4[%scan3A_11, %dma_wait3A_474, %add3A_227, %dma_wait3A_481] : memref<50x4x128x1024xf32, #tpu.memory_space<hbm>> -> memref<1x1x1x1024xf32, #tpu.memory_space<hbm>>
      %dma_wait3A_483 = tpu.memref_squeeze %dma_wait3A_482 : memref<1x1x1x1024xf32, #tpu.memory_space<hbm>> -> memref<1024xf32, #tpu.memory_space<hbm>>
      %dma_wait3A_484 = arith.constant 0 : i32
      %dma_wait3A_485 = tpu.memref_slice %arg8[%dma_wait3A_473, %dma_wait3A_484] : memref<4x4096xf32, #tpu.memory_space<vmem>> -> memref<1x1024xf32, #tpu.memory_space<vmem>>
      %dma_wait3A_486 = tpu.memref_squeeze %dma_wait3A_485 : memref<1x1024xf32, #tpu.memory_space<vmem>> -> memref<1024xf32, #tpu.memory_space<vmem>>
      tpu.wait_dma2 semaphore(%arg11 : memref<!tpu.dma_semaphore, #tpu.memory_space<semaphore_mem>>) src(%dma_wait3A_486 : memref<1024xf32, #tpu.memory_space<vmem>>) dst(%dma_wait3A_483 : memref<1024xf32, #tpu.memory_space<hbm>>)
      %dma_wait3A_487 = arith.constant 2 : i32
      %dma_wait3A_488 = arith.constant 1 : i32
      %dma_wait3A_489 = arith.constant 1024 : i32
      %dma_wait3A_490 = tpu.memref_slice %arg8[%dma_wait3A_487, %dma_wait3A_489] : memref<4x4096xf32, #tpu.memory_space<vmem>> -> memref<1x1024xf32, #tpu.memory_space<vmem>>
      %dma_wait3A_491 = tpu.memref_squeeze %dma_wait3A_490 : memref<1x1024xf32, #tpu.memory_space<vmem>> -> memref<1024xf32, #tpu.memory_space<vmem>>
      %dma_wait3A_492 = arith.constant 0 : i32
      %dma_wait3A_493 = tpu.memref_slice %arg4[%scan3A_11, %dma_wait3A_488, %add3A_227, %dma_wait3A_492] : memref<50x4x128x1024xf32, #tpu.memory_space<hbm>> -> memref<1x1x1x1024xf32, #tpu.memory_space<hbm>>
      %dma_wait3A_494 = tpu.memref_squeeze %dma_wait3A_493 : memref<1x1x1x1024xf32, #tpu.memory_space<hbm>> -> memref<1024xf32, #tpu.memory_space<hbm>>
      %dma_wait3A_495 = arith.constant 0 : i32
      %dma_wait3A_496 = tpu.memref_slice %arg4[%scan3A_11, %dma_wait3A_488, %add3A_227, %dma_wait3A_495] : memref<50x4x128x1024xf32, #tpu.memory_space<hbm>> -> memref<1x1x1x1024xf32, #tpu.memory_space<hbm>>
      %dma_wait3A_497 = tpu.memref_squeeze %dma_wait3A_496 : memref<1x1x1x1024xf32, #tpu.memory_space<hbm>> -> memref<1024xf32, #tpu.memory_space<hbm>>
      %dma_wait3A_498 = arith.constant 1024 : i32
      %dma_wait3A_499 = tpu.memref_slice %arg8[%dma_wait3A_487, %dma_wait3A_498] : memref<4x4096xf32, #tpu.memory_space<vmem>> -> memref<1x1024xf32, #tpu.memory_space<vmem>>
      %dma_wait3A_500 = tpu.memref_squeeze %dma_wait3A_499 : memref<1x1024xf32, #tpu.memory_space<vmem>> -> memref<1024xf32, #tpu.memory_space<vmem>>
      tpu.wait_dma2 semaphore(%arg11 : memref<!tpu.dma_semaphore, #tpu.memory_space<semaphore_mem>>) src(%dma_wait3A_500 : memref<1024xf32, #tpu.memory_space<vmem>>) dst(%dma_wait3A_497 : memref<1024xf32, #tpu.memory_space<hbm>>)
      %dma_wait3A_501 = arith.constant 2 : i32
      %dma_wait3A_502 = arith.constant 2 : i32
      %dma_wait3A_503 = arith.constant 2048 : i32
      %dma_wait3A_504 = tpu.memref_slice %arg8[%dma_wait3A_501, %dma_wait3A_503] : memref<4x4096xf32, #tpu.memory_space<vmem>> -> memref<1x1024xf32, #tpu.memory_space<vmem>>
      %dma_wait3A_505 = tpu.memref_squeeze %dma_wait3A_504 : memref<1x1024xf32, #tpu.memory_space<vmem>> -> memref<1024xf32, #tpu.memory_space<vmem>>
      %dma_wait3A_506 = arith.constant 0 : i32
      %dma_wait3A_507 = tpu.memref_slice %arg4[%scan3A_11, %dma_wait3A_502, %add3A_227, %dma_wait3A_506] : memref<50x4x128x1024xf32, #tpu.memory_space<hbm>> -> memref<1x1x1x1024xf32, #tpu.memory_space<hbm>>
      %dma_wait3A_508 = tpu.memref_squeeze %dma_wait3A_507 : memref<1x1x1x1024xf32, #tpu.memory_space<hbm>> -> memref<1024xf32, #tpu.memory_space<hbm>>
      %dma_wait3A_509 = arith.constant 0 : i32
      %dma_wait3A_510 = tpu.memref_slice %arg4[%scan3A_11, %dma_wait3A_502, %add3A_227, %dma_wait3A_509] : memref<50x4x128x1024xf32, #tpu.memory_space<hbm>> -> memref<1x1x1x1024xf32, #tpu.memory_space<hbm>>
      %dma_wait3A_511 = tpu.memref_squeeze %dma_wait3A_510 : memref<1x1x1x1024xf32, #tpu.memory_space<hbm>> -> memref<1024xf32, #tpu.memory_space<hbm>>
      %dma_wait3A_512 = arith.constant 2048 : i32
      %dma_wait3A_513 = tpu.memref_slice %arg8[%dma_wait3A_501, %dma_wait3A_512] : memref<4x4096xf32, #tpu.memory_space<vmem>> -> memref<1x1024xf32, #tpu.memory_space<vmem>>
      %dma_wait3A_514 = tpu.memref_squeeze %dma_wait3A_513 : memref<1x1024xf32, #tpu.memory_space<vmem>> -> memref<1024xf32, #tpu.memory_space<vmem>>
      tpu.wait_dma2 semaphore(%arg11 : memref<!tpu.dma_semaphore, #tpu.memory_space<semaphore_mem>>) src(%dma_wait3A_514 : memref<1024xf32, #tpu.memory_space<vmem>>) dst(%dma_wait3A_511 : memref<1024xf32, #tpu.memory_space<hbm>>)
      %dma_wait3A_515 = arith.constant 2 : i32
      %dma_wait3A_516 = arith.constant 3 : i32
      %dma_wait3A_517 = arith.constant 3072 : i32
      %dma_wait3A_518 = tpu.memref_slice %arg8[%dma_wait3A_515, %dma_wait3A_517] : memref<4x4096xf32, #tpu.memory_space<vmem>> -> memref<1x1024xf32, #tpu.memory_space<vmem>>
      %dma_wait3A_519 = tpu.memref_squeeze %dma_wait3A_518 : memref<1x1024xf32, #tpu.memory_space<vmem>> -> memref<1024xf32, #tpu.memory_space<vmem>>
      %dma_wait3A_520 = arith.constant 0 : i32
      %dma_wait3A_521 = tpu.memref_slice %arg4[%scan3A_11, %dma_wait3A_516, %add3A_227, %dma_wait3A_520] : memref<50x4x128x1024xf32, #tpu.memory_space<hbm>> -> memref<1x1x1x1024xf32, #tpu.memory_space<hbm>>
      %dma_wait3A_522 = tpu.memref_squeeze %dma_wait3A_521 : memref<1x1x1x1024xf32, #tpu.memory_space<hbm>> -> memref<1024xf32, #tpu.memory_space<hbm>>
      %dma_wait3A_523 = arith.constant 0 : i32
      %dma_wait3A_524 = tpu.memref_slice %arg4[%scan3A_11, %dma_wait3A_516, %add3A_227, %dma_wait3A_523] : memref<50x4x128x1024xf32, #tpu.memory_space<hbm>> -> memref<1x1x1x1024xf32, #tpu.memory_space<hbm>>
      %dma_wait3A_525 = tpu.memref_squeeze %dma_wait3A_524 : memref<1x1x1x1024xf32, #tpu.memory_space<hbm>> -> memref<1024xf32, #tpu.memory_space<hbm>>
      %dma_wait3A_526 = arith.constant 3072 : i32
      %dma_wait3A_527 = tpu.memref_slice %arg8[%dma_wait3A_515, %dma_wait3A_526] : memref<4x4096xf32, #tpu.memory_space<vmem>> -> memref<1x1024xf32, #tpu.memory_space<vmem>>
      %dma_wait3A_528 = tpu.memref_squeeze %dma_wait3A_527 : memref<1x1024xf32, #tpu.memory_space<vmem>> -> memref<1024xf32, #tpu.memory_space<vmem>>
      tpu.wait_dma2 semaphore(%arg11 : memref<!tpu.dma_semaphore, #tpu.memory_space<semaphore_mem>>) src(%dma_wait3A_528 : memref<1024xf32, #tpu.memory_space<vmem>>) dst(%dma_wait3A_525 : memref<1024xf32, #tpu.memory_space<hbm>>)
      %dma_wait3A_529 = arith.constant 3 : i32
      %dma_wait3A_530 = arith.constant 0 : i32
      %dma_wait3A_531 = arith.constant 0 : i32
      %dma_wait3A_532 = tpu.memref_slice %arg8[%dma_wait3A_529, %dma_wait3A_531] : memref<4x4096xf32, #tpu.memory_space<vmem>> -> memref<1x1024xf32, #tpu.memory_space<vmem>>
      %dma_wait3A_533 = tpu.memref_squeeze %dma_wait3A_532 : memref<1x1024xf32, #tpu.memory_space<vmem>> -> memref<1024xf32, #tpu.memory_space<vmem>>
      %dma_wait3A_534 = arith.constant 0 : i32
      %dma_wait3A_535 = tpu.memref_slice %arg4[%scan3A_11, %dma_wait3A_530, %add3A_304, %dma_wait3A_534] : memref<50x4x128x1024xf32, #tpu.memory_space<hbm>> -> memref<1x1x1x1024xf32, #tpu.memory_space<hbm>>
      %dma_wait3A_536 = tpu.memref_squeeze %dma_wait3A_535 : memref<1x1x1x1024xf32, #tpu.memory_space<hbm>> -> memref<1024xf32, #tpu.memory_space<hbm>>
      %dma_wait3A_537 = arith.constant 0 : i32
      %dma_wait3A_538 = tpu.memref_slice %arg4[%scan3A_11, %dma_wait3A_530, %add3A_304, %dma_wait3A_537] : memref<50x4x128x1024xf32, #tpu.memory_space<hbm>> -> memref<1x1x1x1024xf32, #tpu.memory_space<hbm>>
      %dma_wait3A_539 = tpu.memref_squeeze %dma_wait3A_538 : memref<1x1x1x1024xf32, #tpu.memory_space<hbm>> -> memref<1024xf32, #tpu.memory_space<hbm>>
      %dma_wait3A_540 = arith.constant 0 : i32
      %dma_wait3A_541 = tpu.memref_slice %arg8[%dma_wait3A_529, %dma_wait3A_540] : memref<4x4096xf32, #tpu.memory_space<vmem>> -> memref<1x1024xf32, #tpu.memory_space<vmem>>
      %dma_wait3A_542 = tpu.memref_squeeze %dma_wait3A_541 : memref<1x1024xf32, #tpu.memory_space<vmem>> -> memref<1024xf32, #tpu.memory_space<vmem>>
      tpu.wait_dma2 semaphore(%arg11 : memref<!tpu.dma_semaphore, #tpu.memory_space<semaphore_mem>>) src(%dma_wait3A_542 : memref<1024xf32, #tpu.memory_space<vmem>>) dst(%dma_wait3A_539 : memref<1024xf32, #tpu.memory_space<hbm>>)
      %dma_wait3A_543 = arith.constant 3 : i32
      %dma_wait3A_544 = arith.constant 1 : i32
      %dma_wait3A_545 = arith.constant 1024 : i32
      %dma_wait3A_546 = tpu.memref_slice %arg8[%dma_wait3A_543, %dma_wait3A_545] : memref<4x4096xf32, #tpu.memory_space<vmem>> -> memref<1x1024xf32, #tpu.memory_space<vmem>>
      %dma_wait3A_547 = tpu.memref_squeeze %dma_wait3A_546 : memref<1x1024xf32, #tpu.memory_space<vmem>> -> memref<1024xf32, #tpu.memory_space<vmem>>
      %dma_wait3A_548 = arith.constant 0 : i32
      %dma_wait3A_549 = tpu.memref_slice %arg4[%scan3A_11, %dma_wait3A_544, %add3A_304, %dma_wait3A_548] : memref<50x4x128x1024xf32, #tpu.memory_space<hbm>> -> memref<1x1x1x1024xf32, #tpu.memory_space<hbm>>
      %dma_wait3A_550 = tpu.memref_squeeze %dma_wait3A_549 : memref<1x1x1x1024xf32, #tpu.memory_space<hbm>> -> memref<1024xf32, #tpu.memory_space<hbm>>
      %dma_wait3A_551 = arith.constant 0 : i32
      %dma_wait3A_552 = tpu.memref_slice %arg4[%scan3A_11, %dma_wait3A_544, %add3A_304, %dma_wait3A_551] : memref<50x4x128x1024xf32, #tpu.memory_space<hbm>> -> memref<1x1x1x1024xf32, #tpu.memory_space<hbm>>
      %dma_wait3A_553 = tpu.memref_squeeze %dma_wait3A_552 : memref<1x1x1x1024xf32, #tpu.memory_space<hbm>> -> memref<1024xf32, #tpu.memory_space<hbm>>
      %dma_wait3A_554 = arith.constant 1024 : i32
      %dma_wait3A_555 = tpu.memref_slice %arg8[%dma_wait3A_543, %dma_wait3A_554] : memref<4x4096xf32, #tpu.memory_space<vmem>> -> memref<1x1024xf32, #tpu.memory_space<vmem>>
      %dma_wait3A_556 = tpu.memref_squeeze %dma_wait3A_555 : memref<1x1024xf32, #tpu.memory_space<vmem>> -> memref<1024xf32, #tpu.memory_space<vmem>>
      tpu.wait_dma2 semaphore(%arg11 : memref<!tpu.dma_semaphore, #tpu.memory_space<semaphore_mem>>) src(%dma_wait3A_556 : memref<1024xf32, #tpu.memory_space<vmem>>) dst(%dma_wait3A_553 : memref<1024xf32, #tpu.memory_space<hbm>>)
      %dma_wait3A_557 = arith.constant 3 : i32
      %dma_wait3A_558 = arith.constant 2 : i32
      %dma_wait3A_559 = arith.constant 2048 : i32
      %dma_wait3A_560 = tpu.memref_slice %arg8[%dma_wait3A_557, %dma_wait3A_559] : memref<4x4096xf32, #tpu.memory_space<vmem>> -> memref<1x1024xf32, #tpu.memory_space<vmem>>
      %dma_wait3A_561 = tpu.memref_squeeze %dma_wait3A_560 : memref<1x1024xf32, #tpu.memory_space<vmem>> -> memref<1024xf32, #tpu.memory_space<vmem>>
      %dma_wait3A_562 = arith.constant 0 : i32
      %dma_wait3A_563 = tpu.memref_slice %arg4[%scan3A_11, %dma_wait3A_558, %add3A_304, %dma_wait3A_562] : memref<50x4x128x1024xf32, #tpu.memory_space<hbm>> -> memref<1x1x1x1024xf32, #tpu.memory_space<hbm>>
      %dma_wait3A_564 = tpu.memref_squeeze %dma_wait3A_563 : memref<1x1x1x1024xf32, #tpu.memory_space<hbm>> -> memref<1024xf32, #tpu.memory_space<hbm>>
      %dma_wait3A_565 = arith.constant 0 : i32
      %dma_wait3A_566 = tpu.memref_slice %arg4[%scan3A_11, %dma_wait3A_558, %add3A_304, %dma_wait3A_565] : memref<50x4x128x1024xf32, #tpu.memory_space<hbm>> -> memref<1x1x1x1024xf32, #tpu.memory_space<hbm>>
      %dma_wait3A_567 = tpu.memref_squeeze %dma_wait3A_566 : memref<1x1x1x1024xf32, #tpu.memory_space<hbm>> -> memref<1024xf32, #tpu.memory_space<hbm>>
      %dma_wait3A_568 = arith.constant 2048 : i32
      %dma_wait3A_569 = tpu.memref_slice %arg8[%dma_wait3A_557, %dma_wait3A_568] : memref<4x4096xf32, #tpu.memory_space<vmem>> -> memref<1x1024xf32, #tpu.memory_space<vmem>>
      %dma_wait3A_570 = tpu.memref_squeeze %dma_wait3A_569 : memref<1x1024xf32, #tpu.memory_space<vmem>> -> memref<1024xf32, #tpu.memory_space<vmem>>
      tpu.wait_dma2 semaphore(%arg11 : memref<!tpu.dma_semaphore, #tpu.memory_space<semaphore_mem>>) src(%dma_wait3A_570 : memref<1024xf32, #tpu.memory_space<vmem>>) dst(%dma_wait3A_567 : memref<1024xf32, #tpu.memory_space<hbm>>)
      %dma_wait3A_571 = arith.constant 3 : i32
      %dma_wait3A_572 = arith.constant 3 : i32
      %dma_wait3A_573 = arith.constant 3072 : i32
      %dma_wait3A_574 = tpu.memref_slice %arg8[%dma_wait3A_571, %dma_wait3A_573] : memref<4x4096xf32, #tpu.memory_space<vmem>> -> memref<1x1024xf32, #tpu.memory_space<vmem>>
      %dma_wait3A_575 = tpu.memref_squeeze %dma_wait3A_574 : memref<1x1024xf32, #tpu.memory_space<vmem>> -> memref<1024xf32, #tpu.memory_space<vmem>>
      %dma_wait3A_576 = arith.constant 0 : i32
      %dma_wait3A_577 = tpu.memref_slice %arg4[%scan3A_11, %dma_wait3A_572, %add3A_304, %dma_wait3A_576] : memref<50x4x128x1024xf32, #tpu.memory_space<hbm>> -> memref<1x1x1x1024xf32, #tpu.memory_space<hbm>>
      %dma_wait3A_578 = tpu.memref_squeeze %dma_wait3A_577 : memref<1x1x1x1024xf32, #tpu.memory_space<hbm>> -> memref<1024xf32, #tpu.memory_space<hbm>>
      %dma_wait3A_579 = arith.constant 0 : i32
      %dma_wait3A_580 = tpu.memref_slice %arg4[%scan3A_11, %dma_wait3A_572, %add3A_304, %dma_wait3A_579] : memref<50x4x128x1024xf32, #tpu.memory_space<hbm>> -> memref<1x1x1x1024xf32, #tpu.memory_space<hbm>>
      %dma_wait3A_581 = tpu.memref_squeeze %dma_wait3A_580 : memref<1x1x1x1024xf32, #tpu.memory_space<hbm>> -> memref<1024xf32, #tpu.memory_space<hbm>>
      %dma_wait3A_582 = arith.constant 3072 : i32
      %dma_wait3A_583 = tpu.memref_slice %arg8[%dma_wait3A_571, %dma_wait3A_582] : memref<4x4096xf32, #tpu.memory_space<vmem>> -> memref<1x1024xf32, #tpu.memory_space<vmem>>
      %dma_wait3A_584 = tpu.memref_squeeze %dma_wait3A_583 : memref<1x1024xf32, #tpu.memory_space<vmem>> -> memref<1024xf32, #tpu.memory_space<vmem>>
      tpu.wait_dma2 semaphore(%arg11 : memref<!tpu.dma_semaphore, #tpu.memory_space<semaphore_mem>>) src(%dma_wait3A_584 : memref<1024xf32, #tpu.memory_space<vmem>>) dst(%dma_wait3A_581 : memref<1024xf32, #tpu.memory_space<hbm>>)
    }
    %scan3A_10 = arith.constant 50 : i32
    return
  }
}

</mosaic_0001>

<sc_bundles>
// kernel: kernel.3.cloned.1.call-start
scs
__scs_entry_jumppad:
0x0: {  	(pc) =	sbr.rel $0x88, $3  }
0x1: {  	(tag) =	ssettag $0x0;
	lr =	simm.s32 $0x1  }
0x2: {  	[smem:$0x3F9F] =	sst lr;
	_ =	strace $0xD0000000  }
0x3: {  	_ = 	snop  }
0x4: {  	_ = 	snop  }
0x5: {  	_ = 	snop  }
0x6: {  	_ = 	snop  }
0x7: {  	_ = 	snop  }
__scs_overlays_trampoline_lowered:
0x8: {  	[smem:$0x3FAE] =	sst s0  }
0x9: {  	[smem:$0x3FAF] =	sst s1  }
0xa: {  	[smem:$0x3FB0] =	sst s2  }
0xb: {  	[smem:$0x3FB1] =	sst s3  }
0xc: {  	[smem:$0x3FB2] =	sst s4  }
0xd: {  	[smem:$0x3FB3] =	sst s5  }
0xe: {  	[smem:$0x3FB4] =	sst s6  }
0xf: {  	[smem:$0x3FB5] =	sst s7  }
0x10: {  	[smem:$0x3FB6] =	sst s8  }
0x11: {  	[smem:$0x3FB7] =	sst s9;
	s0 =	simm.s32 @!p0 $0x0  }
0x12: {  	s1 =	sld [smem:$0x3F9D];
	s0 =	simm.s32 @p0 $0x1  }
0x13: {  	[smem:$0x3FB8] =	sst s0;
	s0 =	simm.s32 @!p1 $0x0  }
0x14: {  	s2 =	sld [smem:$0x3F9C];
	s0 =	simm.s32 @p1 $0x1  }
0x15: {  	[smem:$0x3FB9] =	sst s0;
	s0 =	simm.s32 @!p2 $0x0  }
0x16: {  	s3 =	sld [smem:$0x3FDB];
	s0 =	simm.s32 @p2 $0x1  }
0x17: {  	s4 =	simm.s32 $0x1BF5;
	[smem:$0x3FBB] =	sst s0  }
0x18: {  	s0 =	sld [smem:$0x3F9E];
	_ =	swait.ge [sflag:s4], $0x0  }
0x19: {  	s7 =	sld [smem:$0x3F9F]  }
0x1a: {  	s8 =	sadd.s32 $0xFFFFE003, lr  }
0x1b: {  	s9 =	sadd.s32 $0xFFFFFEF7, lr;
	s5 =	simm.s32 $0xFFFFFFFF;
	p2 =	slt.u32 s8, $0xFFFFF086  }
0x1c: {  	p1 =	slt.u32 s9, $0xF7A;
	s5 =	simm.s32 @!p2 $0x0  }
0x1d: {  	s5 =	simm.s32 @p1 $0x1;
	p0 =	seq.s32 s7, s2  }
0x1e: {  	s7 =	smul.u32 @!p0 $0xF7A, s2;
	p2 =	seq.s32 @!p0 s5, $0x0  }
0x1f: {  	s9 =	smul.u32 $0xF7A, s1;
	s8 =	simm.s32 @!p0 $0x1BF5;
	p2 =	por !p2, p0  }
0x20: {  	[sflag:s8] =	ssyncset.s32 @!p0 $0xFFFFF086;
	s6 =	sadd.s32 @!p0 s3, s7;
	s7 =	simm.s32 @!p0 $0x108  }
0x21: {  	s3 =	sadd.s32 s3, s9;
	s6 =	sadd.s32 @!p0 $0x88, s6;
	s7 =	simm.s32 @p2 $0x1082  }
0x22: {  	[simem:s7], [sflag:s8] =	dma.local @!p0 [hbm:s6], $0xF7A  }
0x23: {  	s9 =	sor.u32 $0xD0000000, s2;
	s6 =	simm.s32 $0x108;
	_ =	swait.ge @!p0 [sflag:s8], $0x0  }
0x24: {  	s3 =	sadd.s32 $0x88, s3;
	s6 =	simm.s32 @!p1 $0x1082;
	[sflag:s4] =	ssyncset.s32 $0xFFFFF086  }
0x25: {  	[simem:s6], [sflag:s4] =	dma.local [hbm:s3], $0xF7A  }
0x26: {  	[smem:$0x3F9F] =	sst s1;
	(tag) =	ssettag s2;
	_ =	strace s9  }
0x27: {  	s1 =	sld [smem:$0x3FAF]  }
0x28: {  	s2 =	sld [smem:$0x3FB0]  }
0x29: {  	s4 =	sld [smem:$0x3FB2]  }
0x2a: {  	p0 =	seq.s32 s5, $0x0;
	s5 =	sld [smem:$0x3FB3]  }
0x2b: {  	s6 =	sld [smem:$0x3FB4]  }
0x2c: {  	s7 =	sld [smem:$0x3FB5]  }
0x2d: {  	s3 =	simm.s32 $0x108;
	s8 =	sld [smem:$0x3FB6]  }
0x2e: {  	s3 =	simm.s32 @!p0 $0x1082;
	s9 =	sld [smem:$0x3FB7]  }
0x2f: {  	lr =	sadd.s32 s0, s3;
	s0 =	sld [smem:$0x3FAE]  }
0x30: {  	s3 =	sld [smem:$0x3FB1]  }
0x31: {  	[smem:$0x3FBA] =	sst s10  }
0x32: {  	s10 =	sld [smem:$0x3FB8];
	_ =	sdelay $0x3  }
0x33: {  	p0 =	seq.s32 s10, $0x1;
	s10 =	sld [smem:$0x3FBA];
	_ =	sdelay $0x3  }
0x34: {  	[smem:$0x3FBA] =	sst s10  }
0x35: {  	s10 =	sld [smem:$0x3FB9];
	_ =	sdelay $0x3  }
0x36: {  	p1 =	seq.s32 s10, $0x1;
	s10 =	sld [smem:$0x3FBA];
	_ =	sdelay $0x3  }
0x37: {  	[smem:$0x3FBA] =	sst s10  }
0x38: {  	s10 =	sld [smem:$0x3FBB]  }
0x39: {  	_ = 	snop;
	(pc) =	sbr.ind lr, $3  }
0x3a: {  	_ = 	snop  }
0x3b: {  	_ = 	snop  }
0x3c: {  	p2 =	seq.s32 s10, $0x1;
	s10 =	sld [smem:$0x3FBA]  }
0x3d: {  	_ =	shalt  }
0x3e: {  	_ =	shalt  }
0x3f: {  	_ =	shalt  }
0x40: {  	_ =	shalt  }
0x41: {  	_ =	shalt  }
0x42: {  	_ =	shalt  }
0x43: {  	_ =	shalt  }
0x44: {  	_ =	shalt  }
0x45: {  	_ =	shalt  }
0x46: {  	_ =	shalt  }
0x47: {  	_ =	shalt  }
0x48: {  	_ =	shalt  }
0x49: {  	_ =	shalt  }
0x4a: {  	_ =	shalt  }
0x4b: {  	_ =	shalt  }
0x4c: {  	_ =	shalt  }
0x4d: {  	_ =	shalt  }
0x4e: {  	_ =	shalt  }
0x4f: {  	_ =	shalt  }
0x50: {  	_ =	shalt  }
0x51: {  	_ =	shalt  }
0x52: {  	_ =	shalt  }
0x53: {  	_ =	shalt  }
0x54: {  	_ =	shalt  }
0x55: {  	_ =	shalt  }
0x56: {  	_ =	shalt  }
0x57: {  	_ =	shalt  }
0x58: {  	_ =	shalt  }
0x59: {  	_ =	shalt  }
0x5a: {  	_ =	shalt  }
0x5b: {  	_ =	shalt  }
0x5c: {  	_ =	shalt  }
0x5d: {  	_ =	shalt  }
0x5e: {  	_ =	shalt  }
0x5f: {  	_ =	shalt  }
0x60: {  	_ =	shalt  }
0x61: {  	_ =	shalt  }
0x62: {  	_ =	shalt  }
0x63: {  	_ =	shalt  }
0x64: {  	_ =	shalt  }
0x65: {  	_ =	shalt  }
0x66: {  	_ =	shalt  }
0x67: {  	_ =	shalt  }
0x68: {  	_ =	shalt  }
0x69: {  	_ =	shalt  }
0x6a: {  	_ =	shalt  }
0x6b: {  	_ =	shalt  }
0x6c: {  	_ =	shalt  }
0x6d: {  	_ =	shalt  }
0x6e: {  	_ =	shalt  }
0x6f: {  	_ =	shalt  }
0x70: {  	_ =	shalt  }
0x71: {  	_ =	shalt  }
0x72: {  	_ =	shalt  }
0x73: {  	_ =	shalt  }
0x74: {  	_ =	shalt  }
0x75: {  	_ =	shalt  }
0x76: {  	_ =	shalt  }
0x77: {  	_ =	shalt  }
0x78: {  	_ =	shalt  }
0x79: {  	_ =	shalt  }
0x7a: {  	_ =	shalt  }
0x7b: {  	_ =	shalt  }
0x7c: {  	_ =	shalt  }
0x7d: {  	_ =	shalt  }
0x7e: {  	_ =	shalt  }
0x7f: {  	_ =	shalt  }
0x80: {  	_ =	shalt  }
0x81: {  	_ =	shalt  }
0x82: {  	_ =	shalt  }
0x83: {  	_ =	shalt  }
0x84: {  	_ =	shalt  }
0x85: {  	_ =	shalt  }
0x86: {  	_ =	shalt  }
0x87: {  	_ =	shalt  }
.Lfunc_end0:
.L_simem_size_0:
called_computation_lowered:
.L_overlay_start_0:
0x88: {  	s2 =	sld [smem:$0x3FD9]  }
0x89: {  	s3 =	sld [smem:$0x3FFE];
	_ =	sdelay $0x1  }
0x8a: {  	s1 =	srdreg.scid  }
0x8b: {  	s0 =	sand.u32 $0x1, s1  }
0x8c: {  	s17 =	sshll.u32 s0, $0xA;
	s2 =	sadd.s32 s3, s2  }
0x8d: {  	s2 =	sadd.s32 s2, s17  }
0x8e: {  	[smem:$0x3FC6] =	sst s2  }
0x8f: {  	_ = 	snop  }
0x90: {  	s2 =	sld [smem:$0x3FD0];
	(tm) =	ssettm $0x1  }
0x91: {  	s18 =	sld [smem:$0x3FFB];
	_ =	sdelay $0x3  }
0x92: {  	_ =	strace s18  }
0x93: {  	s3 =	sld [smem:$0x3FFC];
	_ =	sdelay $0x3  }
0x94: {  	_ =	strace s3  }
0x95: {  	s3 =	sld [smem:$0x3FFD];
	_ =	sdelay $0x3  }
0x96: {  	_ =	strace s3  }
0x97: {  	_ =	strace $0x8FFFFFFF  }
0x98: {  	s19 =	sld [smem:$0x3FDB];
	_ =	sdelay $0x1  }
0x99: {  	s4 =	simm.s32 $_scs_section_size  }
0x9a: {  	s5 =	simm.s32 $_size__tile_overlayer_lowered;
	s6 =	simm.s32 $_tile_overlayer_lowered  }
0x9b: {  	s22 =	simm.s32 $0x1BFF;
	s21 =	sshll.u32 s6, $0x1;
	s3 =	sadd.s32 s4, s19  }
0x9c: {  	s7 =	simm.s32 $0x0;
	s20 =	sshll.u32 s5, $0x1;
	s5 =	sadd.s32 s21, s3  }
0x9d: {  	[timem:s7], [sflag:s22] =	dma.local [hbm:s5], s20  }
0x9e: {  	_ =	swait.ge [sflag:s22], s20  }
0x9f: {  	s4 =	ssub.s32 $0x0, s20;
	[sflag:s22] =	ssyncset.done $0x0  }
0xa0: {  	[sflag:s22] =	ssyncadd.s32 s4;
	_ =	sdelay $0x1  }
0xa1: {  	s23 =	simm.s32 $0x1B8B  }
0xa2: {  	_ =	swait.ge [sflag:s23], $0x1  }
0xa3: {  	[sflag:s23] =	ssyncset.done $0x0  }
0xa4: {  	s25 =	simm.s32 $0x1B8E;
	s24 =	sld [smem:$0x3FFE];
	[sflag:s23] =	ssyncadd.s32 $0xFFFFFFFF  }
0xa5: {  	s26 =	simm.s32 $execute0_lowered;
	[smem:$0x3FD2] =	sst s25  }
0xa6: {  	s5 =	sshll.u32 s26, $0x1;
	_ =	strace $0x80000046;
	[dreg:$0x1] =	wrdreg $0xFFFFFFFF  }
0xa7: {  	s28 =	simm.s32 $_size_execute0_lowered;
	s3 =	sadd.s32 s3, s5;
	[dreg:$0x0] =	wrdreg $0x0  }
0xa8: {  	s5 =	sshll.u32 s28, $0x1;
	[dreg:$0x2] =	wrdreg s3  }
0xa9: {  	[dreg:$0x3] =	wrdreg s5  }
0xaa: {  	[dreg:$0x4] =	wrdreg $0xC0  }
0xab: {  	_ =	task [dreg:s7], $0x5FFFF  }
0xac: {  	[dreg:$0x1] =	wrdreg $0xFFFFFFFF  }
0xad: {  	[dreg:$0x0] =	wrdreg $0x60  }
0xae: {  	[dreg:$0x2] =	wrdreg s24  }
0xaf: {  	[dreg:$0x3] =	wrdreg s2  }
0xb0: {  	[dreg:$0x4] =	wrdreg $0x9  }
0xb1: {  	_ =	task.clear_ibuf [dreg:s7], $0x5FFFF;
	_ =	strace $0x90000046  }
0xb2: {  	s29 =	simm.s32 $0x9;
	_ =	strace $0x80000048  }
0xb3: {  	_ =	swait.ge [sflag:s29], $0x1  }
0xb4: {  	[sflag:s29] =	ssyncadd.s32 $0xFFFFFFFF  }
0xb5: {  	_ =	strace $0x90000048  }
0xb6: {  	_ =	sfence  }
0xb7: {  	s30 =	sld [smem:$0x0];
	_ =	sdelay $0x2  }
0xb8: {  	s31 =	sshll.u32 s1, $0xD;
	s1 =	sshrl.u32 s1, $0x2  }
0xb9: {  	s3 =	sand.u32 $0x4000, s31;
	s1 =	sadd.s32 s1, s30  }
0xba: {  	s0 =	sor.u32 s3, s0;
	s1 =	sshll.u32 s1, $0x11  }
0xbb: {  	s0 =	sor.u32 s1, s0  }
0xbc: {  	s0 =	sadd.s32 $0x8F2B, s0  }
0xbd: {  	[sflag:s0] =	ssyncadd.remote.s32 $0x1  }
0xbe: {  	_ =	sfence.sel $0xFFFF  }
0xbf: {  	[dreg:$0x0] =	wrdreg $0xFFFFFFFF;
	(pc) =	sbr.abs _section_cstart, $3  }
0xc0: {  	[dreg:$0x1] =	wrdreg $0xFFFFFFFF  }
0xc1: {  	_ =	task.clear_ibuf [dreg:s7], $0x2FFFF;
	_ =	strace $0x9FFFFFFF  }
0xc2: {  	(tm) =	ssettm $0x7FFFFFFF  }
0xc3: {  	_ =	shalt  }
tec
execute0_lowered:
.L_overlay_start_1:
0x0: {  	(tag) =	ssettag $0x1  }
0x1: {  	s0 =	rddreg [dreg:$0x0]  }
0x2: {  	s1 =	srdreg.scid;
	s3 =	stileid.u32  }
0x3: {  	s2 =	rddreg [dreg:$0x1];
	s17 =	simm.s32 $0x80;
	s22 =	simm.s32 $0x1  }
0x4: {  	s23 =	simm.s32 $0xA400;
	s29 =	simm.s32 $0xB480;
	s14 =	simm.s32 $0xC500  }
0x5: {  	s18 =	simm.s32 $0xD580;
	s19 =	simm.s32 $0x11600;
	s20 =	simm.s32 $0x11A00  }
0x6: {  	s21 =	simm.s32 $0x11E00;
	s24 =	simm.s32 $0x12200;
	s25 =	simm.s32 $0x2  }
0x7: {  	s1 =	sand.u32 $0x1, s1;
	s4 =	sshll.u32 s3, $0x1;
	s3 =	simm.s32 $0x0  }
0x8: {  	s8 =	sadd.s32 $0x8000, s2;
	s9 =	sadd.s32 $0xC000, s2;
	s5 =	sor.u32 s1, s4  }
0x9: {  	[smem:$0x7FF] =	sst s3;
	s1 =	ssub.s32 $0x2, s1;
	s4 =	sshll.u32 s5, $0x6  }
0xa: {  	_ =	strace $0x80000047;
	s7 =	sshrl.u32 s1, $0x1;
	s6 =	sadd.s32 s4, s0  }
0xb: {  	s4 =	sadd.s32 $0xF42A00, s0;
	s30 =	ssub.s32 s1, s7;
	s7 =	sadd.s32 $0x4000, s2  }
0xc: {  	v0 =	vlaneseq.u32;
	s1 =	simm.s32 $0x0;
	s31 =	sadd.s32 $0x600, s6;
	s6 =	sshll.u32 s5, $0xC  }
0xd: {  	v0 =	vmul.u32 $0x21, v0;
	s0 =	smax.u32 s30, $0x1;
	[dreg:$0x3] =	wrdreg s31;
	s10 =	sor.u32 $0x400, s6  }
0xe: {  	s11 =	sor.u32 $0x800, s6;
	s12 =	sor.u32 $0xC00, s6;
	[dreg:$0x4] =	wrdreg s0  }
.LBB2_1:
0xf: {  	[dreg:$0x5] =	wrdreg s1  }
0x10: {  	s0 =	rddreg [dreg:$0x3]  }
0x11: {  	s30 =	simm.s32 $0x200;
	s5 =	simm.s32 $0x4000;
	s31 =	simm.s32 $0x3  }
0x12: {  	[tilespmem:s3], [sflag:$0x3] =	stream.strided.gather [hbm4b:s0+s30], $0x6400, s5, s30, $0x38;
	[tilespmem:$0x12600] =	vst v63  }
0x13: {  	_ =	swait.ge [sflag:s31], $0x6400  }
0x14: {  	[sflag:s31] =	ssyncset.done $0x0  }
0x15: {  	s26 =	simm.s32 $0x0;
	[sflag:s31] =	ssyncadd.s32 $0xFFFF9C00  }
.LBB2_2:
0x16: {  	s0 =	sshll.u32 s26, $0x9  }
0x17: {  	s1 =	simm.s32 $0x6400;
	s0 =	sand.u32 $0x3FFFFE00, s0  }
0x18: {  	[tilespmem:s1], [sflag:$0x1] =	stream.indirect.gather [hbm4b:s4+s17], $0x20, s0, s17, $0xb8;
	[tilespmem:$0x12600] =	vst v63  }
0x19: {  	s5 =	simm.s32 $0x7400;
	s15 =	sor.u32 $0x80, s0  }
0x1a: {  	[tilespmem:s5], [sflag:$0x1] =	stream.indirect.gather [hbm4b:s4+s17], $0x20, s15, s17, $0xb8;
	[tilespmem:$0x12600] =	vst v63  }
0x1b: {  	s28 =	simm.s32 $0x8400;
	s16 =	sor.u32 $0x100, s0  }
0x1c: {  	[tilespmem:s28], [sflag:$0x1] =	stream.indirect.gather [hbm4b:s4+s17], $0x20, s16, s17, $0xb8;
	[tilespmem:$0x12600] =	vst v63  }
0x1d: {  	s31 =	simm.s32 $0x9400;
	s0 =	sor.u32 $0x180, s0  }
0x1e: {  	[tilespmem:s31], [sflag:$0x1] =	stream.indirect.gather [hbm4b:s4+s17], $0x20, s0, s17, $0xb8;
	[tilespmem:$0x12600] =	vst v63  }
0x1f: {  	_ =	swait.ge [sflag:s22], $0x1000  }
0x20: {  	[sflag:s22] =	ssyncset.done $0x0  }
0x21: {  	s28 =	simm.s32 $0x6480;
	[sflag:s22] =	ssyncadd.s32 $0xFFFFF000  }
0x22: {  	v1 =	vld [tilespmem:s28+$0x60]  }
0x23: {  	v2 =	vld [tilespmem:s28+$0xFFFFFFA0]  }
0x24: {  	v3 =	vld [tilespmem:s28+$0xFFFFFFC0]  }
0x25: {  	v4 =	vld [tilespmem:s28+$0xFFFFFFE0]  }
0x26: {  	s0 =	simm.s32 $0xA484;
	v5 =	vld [tilespmem:s28+$0x0]  }
0x27: {  	v6 =	vld [tilespmem:s28+$0x20];
	[tilespmem:s0+$0x63] =	vst v1  }
0x28: {  	v7 =	vld [tilespmem:s28+$0x40];
	[tilespmem:s0+$0xFFFFFF9D] =	vst v2  }
0x29: {  	v8 =	vld [tilespmem:s28+$0xFFFFFF80];
	[tilespmem:s0+$0xFFFFFFBE] =	vst v3  }
0x2a: {  	[tilespmem:s0+$0xFFFFFFDF] =	vst v4;
	v1 =	vld [tilespmem:s28+$0x70]  }
0x2b: {  	[tilespmem:s0+$0x0] =	vst v5;
	v9 =	vld [tilespmem:s28+$0xFFFFFFB0]  }
0x2c: {  	[tilespmem:s0+$0x21] =	vst v6;
	v5 =	vld [tilespmem:s28+$0xFFFFFFD0]  }
0x2d: {  	[tilespmem:s0+$0x42] =	vst v7;
	v3 =	vld [tilespmem:s28+$0xFFFFFFF0]  }
0x2e: {  	[tilespmem:s0+$0xFFFFFF7C] =	vst v8;
	v2 =	vld [tilespmem:s28+$0x10]  }
0x2f: {  	v4 =	vld [tilespmem:s28+$0x30];
	[tilespmem:s0+$0x73] =	vst v1  }
0x30: {  	v1 =	vld [tilespmem:s28+$0xFFFFFF90];
	[tilespmem:s0+$0xFFFFFFAD] =	vst v9  }
0x31: {  	s30 =	simm.s32 $0x6580;
	s1 =	simm.s32 $0xE71;
	s15 =	simm.s32 $0x0;
	[tilespmem:s0+$0xFFFFFFCE] =	vst v5;
	v5 =	vld [tilespmem:s28+$0x50]  }
.LBB2_3:
0x32: {  	v6 =	vld [tilespmem:s30+$0x60];
	s15 =	sadd.s32 $0x8, s15;
	[tilespmem:s0+$0xFFFFFFEF] =	vst v3  }
0x33: {  	v3 =	vld [tilespmem:s30+$0xFFFFFFA0];
	p0 =	slt.u32 s15, $0x78;
	[tilespmem:s0+$0x10] =	vst v2  }
0x34: {  	v2 =	vld [tilespmem:s30+$0xFFFFFFC0];
	[tilespmem:s0+$0x31] =	vst v4  }
0x35: {  	v4 =	vld [tilespmem:s30+$0xFFFFFFE0];
	[tilespmem:s0+$0xFFFFFF8C] =	vst v1  }
0x36: {  	v1 =	vld [tilespmem:s30+$0x0];
	[tilespmem:s0+$0x52] =	vst v5;
	s0 =	sadd.s32 $0x108, s0  }
0x37: {  	v5 =	vld [tilespmem:s30+$0x20];
	[tilespmem:s0+$0x63] =	vst v6  }
0x38: {  	[tilespmem:s0+$0xFFFFFF9D] =	vst v3;
	v6 =	vld [tilespmem:s30+$0x70]  }
0x39: {  	[tilespmem:s0+$0xFFFFFFBE] =	vst v2;
	v7 =	vld [tilespmem:s30+$0x40]  }
0x3a: {  	v8 =	vld [tilespmem:s30+$0xFFFFFF80];
	[tilespmem:s0+$0xFFFFFFDF] =	vst v4  }
0x3b: {  	v9 =	vld [tilespmem:s30+$0xFFFFFFB0];
	[tilespmem:s0+$0x0] =	vst v1  }
0x3c: {  	v10 =	vld [tilespmem:s30+$0xFFFFFFD0];
	[tilespmem:s0+$0x21] =	vst v5  }
.Ltmp0:
0x3d: {  	s28 =	simm.s32 $0x0;
	v3 =	vld [tilespmem:s30+$0xFFFFFFF0];
	[tilespmem:s0+$0x73] =	vst v6;
	(pc) =	sbr.rel @p0 .LBB2_3-.Ltmp0, $4  }
0x3e: {  	v2 =	vld [tilespmem:s30+$0x10];
	[tilespmem:s0+$0x42] =	vst v7  }
0x3f: {  	[tilespmem:s0+$0xFFFFFF7C] =	vst v8;
	v4 =	vld [tilespmem:s30+$0x30]  }
0x40: {  	v1 =	vld [tilespmem:s30+$0xFFFFFF90];
	[tilespmem:s0+$0xFFFFFFAD] =	vst v9  }
0x41: {  	[tilespmem:s0+$0xFFFFFFCE] =	vst v10;
	v5 =	vld [tilespmem:s30+$0x50];
	s30 =	sadd.s32 $0x100, s30  }
0x42: {  	[tilespmem:s0+$0xFFFFFFEF] =	vst v3;
	s15 =	simm.s32 $0xC61;
	v3 =	vadd.s32 s1, v0  }
0x43: {  	s16 =	simm.s32 $0x420;
	[tilespmem:s0+$0x10] =	vst v2;
	v2 =	vadd.s32 s15, v0  }
0x44: {  	s13 =	simm.s32 $0x210;
	v6 =	vadd.s32 s16, v0;
	[tilespmem:s0+$0x31] =	vst v4  }
0x45: {  	s16 =	simm.s32 $0xA50;
	v4 =	vadd.s32 s13, v0;
	[tilespmem:s0+$0xFFFFFF8C] =	vst v1  }
0x46: {  	s13 =	simm.s32 $0x840;
	v8 =	vadd.s32 s16, v0;
	[tilespmem:s0+$0x52] =	vst v5  }
0x47: {  	s5 =	simm.s32 $0x630;
	v7 =	vadd.s32 s13, v0;
	v1 =	vld.idx.msk [tilespmem:v3+s23+$0x0], $0xffff  }
0x48: {  	s15 =	simm.s32 $0x0;
	v5 =	vadd.s32 s5, v0;
	v2 =	vld.idx.msk [tilespmem:v2+s23+$0x0], $0xffff  }
0x49: {  	s13 =	simm.s32 $0xE70;
	v3 =	vadd.s32 s15, v0;
	v6 =	vld.idx.msk [tilespmem:v6+s23+$0x0], $0xffff  }
0x4a: {  	s5 =	simm.s32 $0xC60;
	v11 =	vadd.s32 s13, v0;
	v4 =	vld.idx.msk [tilespmem:v4+s23+$0x0], $0xffff  }
0x4b: {  	s16 =	sand.u32 $0xC00, s28;
	v9 =	vadd.s32 s5, v0;
	s15 =	simm.s32 $0x1;
	v10 =	vld.idx.msk [tilespmem:v8+s23+$0x0], $0xffff  }
0x4c: {  	s13 =	sand.u32 $0x300, s28;
	s0 =	sadd.s32 $0xE600, s16;
	s5 =	simm.s32 $0x211;
	v12 =	vadd.s32 s15, v0;
	v7 =	vld.idx.msk [tilespmem:v7+s23+$0x0], $0xffff  }
0x4d: {  	s16 =	simm.s32 $0x421;
	s30 =	sadd.s32 s13, s0;
	v13 =	vadd.s32 s5, v0;
	v5 =	vld.idx.msk [tilespmem:v5+s23+$0x0], $0xffff  }
0x4e: {  	v15 =	vadd.s32 s16, v0;
	s5 =	simm.s32 $0x631;
	v14 =	vld.idx.msk [tilespmem:v3+s23+$0x0], $0xffff;
	[tilespmem:s30+$0xE0] =	vst v2  }
0x4f: {  	s31 =	simm.s32 $0x841;
	v8 =	vld.idx.msk [tilespmem:v11+s23+$0x0], $0xffff;
	[tilespmem:s30+$0x10] =	vst v4;
	v4 =	vadd.s32 s5, v0  }
0x50: {  	s16 =	simm.s32 $0xA51;
	v9 =	vld.idx.msk [tilespmem:v9+s23+$0x0], $0xffff;
	v3 =	vadd.s32 s31, v0;
	[tilespmem:s30+$0x20] =	vst v6  }
0x51: {  	s13 =	simm.s32 $0x80;
	v6 =	vld.idx.msk [tilespmem:v12+s23+$0x0], $0xffff;
	v2 =	vadd.s32 s16, v0;
	[tilespmem:s30+$0x40] =	vst v7  }
0x52: {  	s15 =	sand.u32 $0x380, s13;
	v7 =	vld.idx.msk [tilespmem:v13+s23+$0x0], $0xffff;
	[tilespmem:s30+$0x30] =	vst v5  }
0x53: {  	s1 =	simm.s32 $0xE73;
	s0 =	sadd.s32 s15, s0;
	s31 =	simm.s32 $0x0;
	v5 =	vld.idx.msk [tilespmem:v15+s23+$0x0], $0xffff;
	[tilespmem:s30+$0x0] =	vst v14  }
.LBB2_5:
0x54: {  	s15 =	sadd.s32 $0xFFFFF39F, s1;
	s5 =	sadd.s32 $0xFFFFFDF0, s1;
	v11 =	vadd.s32 s1, v0;
	s31 =	sadd.s32 $0x10, s31;
	[tilespmem:s30+$0x50] =	vst v10;
	v10 =	vld.idx.msk [tilespmem:v4+s23+$0x0], $0xffff  }
0x55: {  	s13 =	sadd.s32 $0xFFFFF7BF, s1;
	v12 =	vadd.s32 s15, v0;
	s15 =	sadd.s32 $0xFFFFF5AF, s1;
	v13 =	vadd.s32 s5, v0;
	p0 =	slt.u32 s31, $0xF0;
	[tilespmem:s30+$0x60] =	vst v9;
	v9 =	vld.idx.msk [tilespmem:v3+s23+$0x0], $0xffff  }
0x56: {  	v15 =	vadd.s32 s13, v0;
	s5 =	sadd.s32 $0xFFFFF9CF, s1;
	s13 =	sadd.s32 $0xFFFFFBDF, s1;
	v14 =	vadd.s32 s15, v0;
	s15 =	sadd.s32 $0xFFFFFDEF, s1;
	[tilespmem:s30+$0x70] =	vst v8;
	v8 =	vld.idx.msk [tilespmem:v2+s23+$0x0], $0xffff  }
0x57: {  	v16 =	vadd.s32 s5, v0;
	v17 =	vadd.s32 s13, v0;
	s5 =	sadd.s32 $0xFFFFFFFF, s1;
	s13 =	sadd.s32 $0xFFFFF190, s1;
	v18 =	vadd.s32 s15, v0;
	s15 =	sadd.s32 $0xFFFFF3A0, s1;
	[tilespmem:s0+$0x0] =	vst v6  }
0x58: {  	v6 =	vadd.s32 s5, v0;
	v19 =	vadd.s32 s13, v0;
	s0 =	sadd.s32 $0xFFFFF5B0, s1;
	s5 =	sadd.s32 $0xFFFFF7C0, s1;
	s13 =	sadd.s32 $0xFFFFF9D0, s1;
	v20 =	vadd.s32 s15, v0;
	[tilespmem:s30+$0x90] =	vst v7  }
0x59: {  	s15 =	sadd.s32 $0xFFFFF18F, s1;
	v21 =	vadd.s32 s0, v0;
	v4 =	vadd.s32 s5, v0;
	v3 =	vadd.s32 s13, v0;
	s0 =	sadd.s32 $0xFFFFFBE0, s1;
	v7 =	vld.idx.msk [tilespmem:v11+s23+$0x0], $0xffff  }
0x5a: {  	v11 =	vadd.s32 s15, v0;
	v2 =	vadd.s32 s0, v0;
	v13 =	vld.idx.msk [tilespmem:v13+s23+$0x0], $0xffff;
	[tilespmem:s30+$0xA0] =	vst v5  }
0x5b: {  	v5 =	vld.idx.msk [tilespmem:v12+s23+$0x0], $0xffff;
	[tilespmem:s30+$0xB0] =	vst v10  }
0x5c: {  	s28 =	sadd.s32 $0x100, s28;
	v12 =	vld.idx.msk [tilespmem:v14+s23+$0x0], $0xffff;
	[tilespmem:s30+$0xC0] =	vst v9  }
0x5d: {  	s5 =	sadd.s32 $0x80, s28;
	s0 =	sand.u32 $0xC00, s28;
	v14 =	vld.idx.msk [tilespmem:v15+s23+$0x0], $0xffff;
	[tilespmem:s30+$0xD0] =	vst v8  }
0x5e: {  	s13 =	sand.u32 $0x300, s28;
	s5 =	sand.u32 $0x380, s5;
	s0 =	sadd.s32 $0xE600, s0;
	v15 =	vld.idx.msk [tilespmem:v16+s23+$0x0], $0xffff;
	[tilespmem:s30+$0xF0] =	vst v1  }
0x5f: {  	s30 =	sadd.s32 s13, s0;
	s0 =	sadd.s32 s5, s0;
	v1 =	vmov v7;
	v11 =	vld.idx.msk [tilespmem:v11+s23+$0x0], $0xffff  }
0x60: {  	v10 =	vld.idx.msk [tilespmem:v17+s23+$0x0], $0xffff;
	[tilespmem:s30+$0xE0] =	vst v13  }
.Ltmp1:
0x61: {  	[tilespmem:s30+$0x10] =	vst v5;
	v9 =	vld.idx.msk [tilespmem:v18+s23+$0x0], $0xffff;
	(pc) =	sbr.rel @p0 .LBB2_5-.Ltmp1, $4  }
0x62: {  	[tilespmem:s30+$0x20] =	vst v12;
	v8 =	vld.idx.msk [tilespmem:v6+s23+$0x0], $0xffff  }
0x63: {  	[tilespmem:s30+$0x30] =	vst v14;
	v6 =	vld.idx.msk [tilespmem:v19+s23+$0x0], $0xffff  }
0x64: {  	[tilespmem:s30+$0x40] =	vst v15;
	v7 =	vld.idx.msk [tilespmem:v20+s23+$0x0], $0xffff  }
0x65: {  	s1 =	sadd.s32 $0x2, s1;
	[tilespmem:s30+$0x0] =	vst v11;
	v5 =	vld.idx.msk [tilespmem:v21+s23+$0x0], $0xffff  }
0x66: {  	_ =	sdelay $0x1  }
0x67: {  	[tilespmem:s30+$0x50] =	vst v10  }
0x68: {  	[tilespmem:s30+$0x60] =	vst v9  }
0x69: {  	v4 =	vld.idx.msk [tilespmem:v4+s23+$0x0], $0xffff;
	[tilespmem:s30+$0xF0] =	vst v1  }
0x6a: {  	v3 =	vld.idx.msk [tilespmem:v3+s23+$0x0], $0xffff;
	[tilespmem:s30+$0x70] =	vst v8  }
0x6b: {  	v2 =	vld.idx.msk [tilespmem:v2+s23+$0x0], $0xffff;
	[tilespmem:s0+$0x0] =	vst v6  }
0x6c: {  	[tilespmem:s30+$0x90] =	vst v7  }
0x6d: {  	s28 =	sshll.u32 s26, $0x13;
	[tilespmem:s30+$0xA0] =	vst v5  }
0x6e: {  	s1 =	sor.u32 s6, s28;
	[tilespmem:s30+$0xB0] =	vst v4  }
0x6f: {  	s0 =	sshrl.u32 s1, $0x3;
	[tilespmem:s30+$0xC0] =	vst v3  }
0x70: {  	s5 =	simm.s32 $0xE600;
	s1 =	sadd.s32 s2, s0;
	[tilespmem:s30+$0xD0] =	vst v2  }
0x71: {  	[hbm4b:s1+s3] =	stream.linear.scatter [tilespmem:s5], [sflag:$0x2], $0x400, $0x38;
	[tilespmem:$0x12600] =	vst v63  }
0x72: {  	s13 =	simm.s32 $0xEA00;
	s5 =	sadd.s32 s0, s7  }
0x73: {  	[hbm4b:s5+s3] =	stream.linear.scatter [tilespmem:s13], [sflag:$0x2], $0x400, $0x38;
	[tilespmem:$0x12600] =	vst v63  }
0x74: {  	s16 =	simm.s32 $0xEE00;
	s15 =	sadd.s32 s0, s8  }
0x75: {  	[hbm4b:s15+s3] =	stream.linear.scatter [tilespmem:s16], [sflag:$0x2], $0x400, $0x38;
	[tilespmem:$0x12600] =	vst v63  }
0x76: {  	s30 =	simm.s32 $0xF200;
	s0 =	sadd.s32 s0, s9  }
0x77: {  	[hbm4b:s0+s3] =	stream.linear.scatter [tilespmem:s30], [sflag:$0x2], $0x400, $0x38;
	[tilespmem:$0x12600] =	vst v63  }
0x78: {  	_ =	swait.ge [sflag:s22], $0x1000  }
0x79: {  	[sflag:s22] =	ssyncset.done $0x0  }
0x7a: {  	s31 =	simm.s32 $0x74F0;
	[sflag:s22] =	ssyncadd.s32 $0xFFFFF000  }
0x7b: {  	v1 =	vld [tilespmem:s31+$0xFFFFFFF0]  }
0x7c: {  	v2 =	vld [tilespmem:s31+$0xFFFFFF30]  }
0x7d: {  	v3 =	vld [tilespmem:s31+$0xFFFFFF50]  }
0x7e: {  	v4 =	vld [tilespmem:s31+$0xFFFFFF70]  }
0x7f: {  	s0 =	simm.s32 $0xB577;
	v5 =	vld [tilespmem:s31+$0xFFFFFF90]  }
0x80: {  	v6 =	vld [tilespmem:s31+$0xFFFFFFB0];
	[tilespmem:s0+$0xFFFFFFF0] =	vst v1  }
0x81: {  	v7 =	vld [tilespmem:s31+$0xFFFFFFD0];
	[tilespmem:s0+$0xFFFFFF2A] =	vst v2  }
0x82: {  	v62 =	vld [tilespmem:s31+$0xFFFFFF10];
	[tilespmem:s0+$0xFFFFFF4B] =	vst v3  }
0x83: {  	[tilespmem:s0+$0xFFFFFF6C] =	vst v4;
	v1 =	vld [tilespmem:s31+$0x0]  }
0x84: {  	[tilespmem:s0+$0xFFFFFF8D] =	vst v5;
	v4 =	vld [tilespmem:s31+$0xFFFFFF40]  }
0x85: {  	[tilespmem:s0+$0xFFFFFFAE] =	vst v6;
	v63 =	vld [tilespmem:s31+$0xFFFFFF60]  }
0x86: {  	[tilespmem:s0+$0xFFFFFFCF] =	vst v7;
	v2 =	vld [tilespmem:s31+$0xFFFFFF80]  }
0x87: {  	[tilespmem:s0+$0xFFFFFF09] =	vst v62;
	v3 =	vld [tilespmem:s31+$0xFFFFFFA0]  }
0x88: {  	v5 =	vld [tilespmem:s31+$0xFFFFFFC0];
	[tilespmem:s0+$0x0] =	vst v1  }
0x89: {  	v1 =	vld [tilespmem:s31+$0xFFFFFF20];
	[tilespmem:s0+$0xFFFFFF3A] =	vst v4  }
0x8a: {  	s1 =	simm.s32 $0x0;
	s15 =	simm.s32 $0x75F0;
	[tilespmem:s0+$0xFFFFFF5B] =	vst v63;
	v4 =	vld [tilespmem:s31+$0xFFFFFFE0]  }
.LBB2_7:
0x8b: {  	v6 =	vld [tilespmem:s15+$0xFFFFFFF0];
	s1 =	sadd.s32 $0x8, s1;
	[tilespmem:s0+$0xFFFFFF7C] =	vst v2  }
0x8c: {  	v2 =	vld [tilespmem:s15+$0xFFFFFF30];
	p0 =	slt.u32 s1, $0x78;
	[tilespmem:s0+$0xFFFFFF9D] =	vst v3  }
0x8d: {  	v3 =	vld [tilespmem:s15+$0xFFFFFF50];
	[tilespmem:s0+$0xFFFFFFBE] =	vst v5  }
0x8e: {  	v5 =	vld [tilespmem:s15+$0xFFFFFF70];
	[tilespmem:s0+$0xFFFFFF19] =	vst v1  }
0x8f: {  	v1 =	vld [tilespmem:s15+$0xFFFFFF90];
	[tilespmem:s0+$0xFFFFFFDF] =	vst v4;
	s0 =	sadd.s32 $0x108, s0  }
0x90: {  	v4 =	vld [tilespmem:s15+$0xFFFFFFB0];
	[tilespmem:s0+$0xFFFFFFF0] =	vst v6  }
0x91: {  	[tilespmem:s0+$0xFFFFFF2A] =	vst v2;
	v6 =	vld [tilespmem:s15+$0x0]  }
0x92: {  	[tilespmem:s0+$0xFFFFFF4B] =	vst v3;
	v7 =	vld [tilespmem:s15+$0xFFFFFFD0]  }
0x93: {  	v8 =	vld [tilespmem:s15+$0xFFFFFF10];
	[tilespmem:s0+$0xFFFFFF6C] =	vst v5  }
0x94: {  	v9 =	vld [tilespmem:s15+$0xFFFFFF40];
	[tilespmem:s0+$0xFFFFFF8D] =	vst v1  }
0x95: {  	v10 =	vld [tilespmem:s15+$0xFFFFFF60];
	[tilespmem:s0+$0xFFFFFFAE] =	vst v4  }
.Ltmp2:
0x96: {  	s30 =	simm.s32 $0x0;
	s31 =	simm.s32 $0xE71;
	v2 =	vld [tilespmem:s15+$0xFFFFFF80];
	[tilespmem:s0+$0x0] =	vst v6;
	(pc) =	sbr.rel @p0 .LBB2_7-.Ltmp2, $4  }
0x97: {  	v3 =	vld [tilespmem:s15+$0xFFFFFFA0];
	[tilespmem:s0+$0xFFFFFFCF] =	vst v7  }
0x98: {  	[tilespmem:s0+$0xFFFFFF09] =	vst v8;
	v5 =	vld [tilespmem:s15+$0xFFFFFFC0]  }
0x99: {  	v1 =	vld [tilespmem:s15+$0xFFFFFF20];
	[tilespmem:s0+$0xFFFFFF3A] =	vst v9  }
0x9a: {  	[tilespmem:s0+$0xFFFFFF5B] =	vst v10;
	v4 =	vld [tilespmem:s15+$0xFFFFFFE0];
	s15 =	sadd.s32 $0x100, s15  }
0x9b: {  	_ = 	snop  }
0x9c: {  	[tilespmem:s0+$0xFFFFFF7C] =	vst v2;
	s1 =	simm.s32 $0xC61;
	v2 =	vadd.s32 s31, v0  }
0x9d: {  	s15 =	simm.s32 $0x420;
	[tilespmem:s0+$0xFFFFFF9D] =	vst v3;
	v3 =	vadd.s32 s1, v0  }
0x9e: {  	s16 =	simm.s32 $0x630;
	v6 =	vadd.s32 s15, v0;
	[tilespmem:s0+$0xFFFFFFBE] =	vst v5  }
0x9f: {  	s5 =	simm.s32 $0x210;
	[tilespmem:s0+$0xFFFFFFDF] =	vst v4;
	v4 =	vadd.s32 s16, v0  }
0xa0: {  	s15 =	simm.s32 $0xA50;
	v5 =	vadd.s32 s5, v0;
	[tilespmem:s0+$0xFFFFFF19] =	vst v1  }
0xa1: {  	s5 =	simm.s32 $0x840;
	v8 =	vadd.s32 s15, v0;
	v1 =	vld.idx.msk [tilespmem:v2+s29+$0x0], $0xffff  }
0xa2: {  	s13 =	simm.s32 $0x0;
	v7 =	vadd.s32 s5, v0;
	v3 =	vld.idx.msk [tilespmem:v3+s29+$0x0], $0xffff  }
0xa3: {  	s1 =	simm.s32 $0xE70;
	v2 =	vadd.s32 s13, v0;
	v6 =	vld.idx.msk [tilespmem:v6+s29+$0x0], $0xffff  }
0xa4: {  	v11 =	vadd.s32 s1, v0;
	s16 =	simm.s32 $0xC60;
	v4 =	vld.idx.msk [tilespmem:v4+s29+$0x0], $0xffff  }
0xa5: {  	s5 =	simm.s32 $0x1;
	v9 =	vadd.s32 s16, v0;
	s13 =	sand.u32 $0xC00, s30;
	v5 =	vld.idx.msk [tilespmem:v5+s29+$0x0], $0xffff  }
0xa6: {  	v12 =	vadd.s32 s5, v0;
	s16 =	sand.u32 $0x300, s30;
	s0 =	sadd.s32 $0xE600, s13;
	s13 =	simm.s32 $0x421;
	v10 =	vld.idx.msk [tilespmem:v8+s29+$0x0], $0xffff  }
0xa7: {  	s15 =	simm.s32 $0x211;
	s31 =	sadd.s32 s16, s0;
	v15 =	vadd.s32 s13, v0;
	v7 =	vld.idx.msk [tilespmem:v7+s29+$0x0], $0xffff  }
0xa8: {  	v13 =	vadd.s32 s15, v0;
	s15 =	simm.s32 $0x631;
	v14 =	vld.idx.msk [tilespmem:v2+s29+$0x0], $0xffff;
	[tilespmem:s31+$0x10E0] =	vst v3  }
0xa9: {  	v8 =	vld.idx.msk [tilespmem:v11+s29+$0x0], $0xffff;
	s13 =	simm.s32 $0x841;
	[tilespmem:s31+$0x1030] =	vst v4;
	v4 =	vadd.s32 s15, v0  }
0xaa: {  	v9 =	vld.idx.msk [tilespmem:v9+s29+$0x0], $0xffff;
	[tilespmem:s31+$0x1020] =	vst v6;
	v3 =	vadd.s32 s13, v0;
	s15 =	simm.s32 $0xA51  }
0xab: {  	s16 =	simm.s32 $0x80;
	v6 =	vld.idx.msk [tilespmem:v12+s29+$0x0], $0xffff;
	[tilespmem:s31+$0x1010] =	vst v5;
	v2 =	vadd.s32 s15, v0  }
0xac: {  	s5 =	sand.u32 $0x380, s16;
	v5 =	vld.idx.msk [tilespmem:v15+s29+$0x0], $0xffff;
	[tilespmem:s31+$0x1040] =	vst v7  }
0xad: {  	s1 =	simm.s32 $0x0;
	v7 =	vld.idx.msk [tilespmem:v13+s29+$0x0], $0xffff;
	s15 =	sadd.s32 s5, s0;
	[tilespmem:s31+$0x1000] =	vst v14;
	s0 =	simm.s32 $0xE73  }
.LBB2_9:
0xae: {  	s5 =	sadd.s32 $0xFFFFF39F, s0;
	s13 =	sadd.s32 $0xFFFFFDF0, s0;
	v11 =	vadd.s32 s0, v0;
	s1 =	sadd.s32 $0x10, s1;
	[tilespmem:s31+$0x1050] =	vst v10;
	v10 =	vld.idx.msk [tilespmem:v4+s29+$0x0], $0xffff  }
0xaf: {  	s16 =	sadd.s32 $0xFFFFF7BF, s0;
	v12 =	vadd.s32 s5, v0;
	s5 =	sadd.s32 $0xFFFFF5AF, s0;
	v13 =	vadd.s32 s13, v0;
	p0 =	slt.u32 s1, $0xF0;
	[tilespmem:s31+$0x1060] =	vst v9;
	v9 =	vld.idx.msk [tilespmem:v3+s29+$0x0], $0xffff  }
0xb0: {  	v15 =	vadd.s32 s16, v0;
	s13 =	sadd.s32 $0xFFFFFBDF, s0;
	s16 =	sadd.s32 $0xFFFFFDEF, s0;
	v14 =	vadd.s32 s5, v0;
	s5 =	sadd.s32 $0xFFFFF9CF, s0;
	[tilespmem:s31+$0x1070] =	vst v8;
	v8 =	vld.idx.msk [tilespmem:v2+s29+$0x0], $0xffff  }
0xb1: {  	v17 =	vadd.s32 s13, v0;
	v18 =	vadd.s32 s16, v0;
	s13 =	sadd.s32 $0xFFFFF190, s0;
	s16 =	sadd.s32 $0xFFFFF3A0, s0;
	v16 =	vadd.s32 s5, v0;
	s5 =	sadd.s32 $0xFFFFFFFF, s0;
	[tilespmem:s15+$0x1000] =	vst v6  }
0xb2: {  	v19 =	vadd.s32 s13, v0;
	v20 =	vadd.s32 s16, v0;
	s13 =	sadd.s32 $0xFFFFF7C0, s0;
	s15 =	sadd.s32 $0xFFFFF9D0, s0;
	v6 =	vadd.s32 s5, v0;
	s5 =	sadd.s32 $0xFFFFF5B0, s0;
	[tilespmem:s31+$0x1090] =	vst v7  }
0xb3: {  	s16 =	sadd.s32 $0xFFFFF18F, s0;
	v4 =	vadd.s32 s13, v0;
	v3 =	vadd.s32 s15, v0;
	v21 =	vadd.s32 s5, v0;
	s5 =	sadd.s32 $0xFFFFFBE0, s0;
	v7 =	vld.idx.msk [tilespmem:v11+s29+$0x0], $0xffff  }
0xb4: {  	v11 =	vadd.s32 s16, v0;
	v2 =	vadd.s32 s5, v0;
	v13 =	vld.idx.msk [tilespmem:v13+s29+$0x0], $0xffff;
	[tilespmem:s31+$0x10A0] =	vst v5  }
0xb5: {  	v5 =	vld.idx.msk [tilespmem:v12+s29+$0x0], $0xffff;
	[tilespmem:s31+$0x10B0] =	vst v10  }
0xb6: {  	s30 =	sadd.s32 $0x100, s30;
	v12 =	vld.idx.msk [tilespmem:v14+s29+$0x0], $0xffff;
	[tilespmem:s31+$0x10C0] =	vst v9  }
0xb7: {  	s13 =	sadd.s32 $0x80, s30;
	s5 =	sand.u32 $0xC00, s30;
	v14 =	vld.idx.msk [tilespmem:v15+s29+$0x0], $0xffff;
	[tilespmem:s31+$0x10D0] =	vst v8  }
0xb8: {  	s15 =	sand.u32 $0x300, s30;
	s13 =	sand.u32 $0x380, s13;
	s5 =	sadd.s32 $0xE600, s5;
	v15 =	vld.idx.msk [tilespmem:v16+s29+$0x0], $0xffff;
	[tilespmem:s31+$0x10F0] =	vst v1  }
0xb9: {  	s31 =	sadd.s32 s15, s5;
	s15 =	sadd.s32 s13, s5;
	v1 =	vmov v7;
	v11 =	vld.idx.msk [tilespmem:v11+s29+$0x0], $0xffff  }
0xba: {  	v10 =	vld.idx.msk [tilespmem:v17+s29+$0x0], $0xffff;
	[tilespmem:s31+$0x10E0] =	vst v13  }
.Ltmp3:
0xbb: {  	[tilespmem:s31+$0x1010] =	vst v5;
	v9 =	vld.idx.msk [tilespmem:v18+s29+$0x0], $0xffff;
	(pc) =	sbr.rel @p0 .LBB2_9-.Ltmp3, $4  }
0xbc: {  	[tilespmem:s31+$0x1020] =	vst v12;
	v8 =	vld.idx.msk [tilespmem:v6+s29+$0x0], $0xffff  }
0xbd: {  	[tilespmem:s31+$0x1030] =	vst v14;
	v6 =	vld.idx.msk [tilespmem:v19+s29+$0x0], $0xffff  }
0xbe: {  	[tilespmem:s31+$0x1040] =	vst v15;
	v7 =	vld.idx.msk [tilespmem:v20+s29+$0x0], $0xffff  }
0xbf: {  	s0 =	sadd.s32 $0x2, s0;
	[tilespmem:s31+$0x1000] =	vst v11;
	v5 =	vld.idx.msk [tilespmem:v21+s29+$0x0], $0xffff  }
0xc0: {  	_ =	sdelay $0x1  }
0xc1: {  	[tilespmem:s31+$0x1050] =	vst v10  }
0xc2: {  	[tilespmem:s31+$0x1060] =	vst v9  }
0xc3: {  	v4 =	vld.idx.msk [tilespmem:v4+s29+$0x0], $0xffff;
	[tilespmem:s31+$0x10F0] =	vst v1  }
0xc4: {  	v3 =	vld.idx.msk [tilespmem:v3+s29+$0x0], $0xffff;
	[tilespmem:s31+$0x1070] =	vst v8  }
0xc5: {  	v2 =	vld.idx.msk [tilespmem:v2+s29+$0x0], $0xffff;
	[tilespmem:s15+$0x1000] =	vst v6  }
0xc6: {  	[tilespmem:s31+$0x1090] =	vst v7  }
0xc7: {  	[tilespmem:s31+$0x10A0] =	vst v5  }
0xc8: {  	s0 =	sor.u32 s10, s28;
	[tilespmem:s31+$0x10B0] =	vst v4  }
0xc9: {  	s0 =	sshrl.u32 s0, $0x3;
	[tilespmem:s31+$0x10C0] =	vst v3  }
0xca: {  	s5 =	simm.s32 $0xF600;
	s1 =	sadd.s32 s2, s0;
	[tilespmem:s31+$0x10D0] =	vst v2  }
0xcb: {  	[hbm4b:s1+s3] =	stream.linear.scatter [tilespmem:s5], [sflag:$0x2], $0x400, $0x38;
	[tilespmem:$0x12600] =	vst v63  }
0xcc: {  	s5 =	sor.u32 $0x4000, s0  }
0xcd: {  	s13 =	simm.s32 $0xFA00;
	s15 =	sor.u32 $0x8000, s0;
	s1 =	sadd.s32 s2, s5  }
0xce: {  	[hbm4b:s1+s3] =	stream.linear.scatter [tilespmem:s13], [sflag:$0x2], $0x400, $0x38;
	[tilespmem:$0x12600] =	vst v63  }
0xcf: {  	s16 =	simm.s32 $0xFE00;
	s0 =	sor.u32 $0xC000, s0;
	s1 =	sadd.s32 s2, s15  }
0xd0: {  	[hbm4b:s1+s3] =	stream.linear.scatter [tilespmem:s16], [sflag:$0x2], $0x400, $0x38;
	[tilespmem:$0x12600] =	vst v63  }
0xd1: {  	s30 =	simm.s32 $0x10200;
	s0 =	sadd.s32 s2, s0  }
0xd2: {  	[hbm4b:s0+s3] =	stream.linear.scatter [tilespmem:s30], [sflag:$0x2], $0x400, $0x38;
	[tilespmem:$0x12600] =	vst v63  }
0xd3: {  	_ =	swait.ge [sflag:s22], $0x1000  }
0xd4: {  	[sflag:s22] =	ssyncset.done $0x0  }
0xd5: {  	s31 =	simm.s32 $0x84F0;
	[sflag:s22] =	ssyncadd.s32 $0xFFFFF000  }
0xd6: {  	v1 =	vld [tilespmem:s31+$0xFFFFFFF0]  }
0xd7: {  	v2 =	vld [tilespmem:s31+$0xFFFFFF30]  }
0xd8: {  	v3 =	vld [tilespmem:s31+$0xFFFFFF50]  }
0xd9: {  	v4 =	vld [tilespmem:s31+$0xFFFFFF70]  }
0xda: {  	s0 =	simm.s32 $0xC5F7;
	v5 =	vld [tilespmem:s31+$0xFFFFFF90]  }
0xdb: {  	v6 =	vld [tilespmem:s31+$0xFFFFFFB0];
	[tilespmem:s0+$0xFFFFFFF0] =	vst v1  }
0xdc: {  	v7 =	vld [tilespmem:s31+$0xFFFFFFD0];
	[tilespmem:s0+$0xFFFFFF2A] =	vst v2  }
0xdd: {  	v62 =	vld [tilespmem:s31+$0xFFFFFF10];
	[tilespmem:s0+$0xFFFFFF4B] =	vst v3  }
0xde: {  	[tilespmem:s0+$0xFFFFFF6C] =	vst v4;
	v1 =	vld [tilespmem:s31+$0x0]  }
0xdf: {  	[tilespmem:s0+$0xFFFFFF8D] =	vst v5;
	v4 =	vld [tilespmem:s31+$0xFFFFFF40]  }
0xe0: {  	[tilespmem:s0+$0xFFFFFFAE] =	vst v6;
	v63 =	vld [tilespmem:s31+$0xFFFFFF60]  }
0xe1: {  	[tilespmem:s0+$0xFFFFFFCF] =	vst v7;
	v2 =	vld [tilespmem:s31+$0xFFFFFF80]  }
0xe2: {  	[tilespmem:s0+$0xFFFFFF09] =	vst v62;
	v3 =	vld [tilespmem:s31+$0xFFFFFFA0]  }
0xe3: {  	v5 =	vld [tilespmem:s31+$0xFFFFFFC0];
	[tilespmem:s0+$0x0] =	vst v1  }
0xe4: {  	v1 =	vld [tilespmem:s31+$0xFFFFFF20];
	[tilespmem:s0+$0xFFFFFF3A] =	vst v4  }
0xe5: {  	s15 =	simm.s32 $0x85F0;
	s1 =	simm.s32 $0x0;
	[tilespmem:s0+$0xFFFFFF5B] =	vst v63;
	v4 =	vld [tilespmem:s31+$0xFFFFFFE0]  }
.LBB2_11:
0xe6: {  	v6 =	vld [tilespmem:s15+$0xFFFFFFF0];
	s1 =	sadd.s32 $0x8, s1;
	[tilespmem:s0+$0xFFFFFF7C] =	vst v2  }
0xe7: {  	v2 =	vld [tilespmem:s15+$0xFFFFFF30];
	p0 =	slt.u32 s1, $0x78;
	[tilespmem:s0+$0xFFFFFF9D] =	vst v3  }
0xe8: {  	v3 =	vld [tilespmem:s15+$0xFFFFFF50];
	[tilespmem:s0+$0xFFFFFFBE] =	vst v5  }
0xe9: {  	v5 =	vld [tilespmem:s15+$0xFFFFFF70];
	[tilespmem:s0+$0xFFFFFF19] =	vst v1  }
0xea: {  	v1 =	vld [tilespmem:s15+$0xFFFFFF90];
	[tilespmem:s0+$0xFFFFFFDF] =	vst v4;
	s0 =	sadd.s32 $0x108, s0  }
0xeb: {  	v4 =	vld [tilespmem:s15+$0xFFFFFFB0];
	[tilespmem:s0+$0xFFFFFFF0] =	vst v6  }
0xec: {  	[tilespmem:s0+$0xFFFFFF2A] =	vst v2;
	v6 =	vld [tilespmem:s15+$0x0]  }
0xed: {  	[tilespmem:s0+$0xFFFFFF4B] =	vst v3;
	v7 =	vld [tilespmem:s15+$0xFFFFFFD0]  }
0xee: {  	v8 =	vld [tilespmem:s15+$0xFFFFFF10];
	[tilespmem:s0+$0xFFFFFF6C] =	vst v5  }
0xef: {  	v9 =	vld [tilespmem:s15+$0xFFFFFF40];
	[tilespmem:s0+$0xFFFFFF8D] =	vst v1  }
0xf0: {  	v10 =	vld [tilespmem:s15+$0xFFFFFF60];
	[tilespmem:s0+$0xFFFFFFAE] =	vst v4  }
.Ltmp4:
0xf1: {  	s30 =	simm.s32 $0x0;
	s31 =	simm.s32 $0xE71;
	v2 =	vld [tilespmem:s15+$0xFFFFFF80];
	[tilespmem:s0+$0x0] =	vst v6;
	(pc) =	sbr.rel @p0 .LBB2_11-.Ltmp4, $4  }
0xf2: {  	v3 =	vld [tilespmem:s15+$0xFFFFFFA0];
	[tilespmem:s0+$0xFFFFFFCF] =	vst v7  }
0xf3: {  	[tilespmem:s0+$0xFFFFFF09] =	vst v8;
	v5 =	vld [tilespmem:s15+$0xFFFFFFC0]  }
0xf4: {  	v1 =	vld [tilespmem:s15+$0xFFFFFF20];
	[tilespmem:s0+$0xFFFFFF3A] =	vst v9  }
0xf5: {  	[tilespmem:s0+$0xFFFFFF5B] =	vst v10;
	v4 =	vld [tilespmem:s15+$0xFFFFFFE0];
	s15 =	sadd.s32 $0x100, s15  }
0xf6: {  	_ = 	snop  }
0xf7: {  	[tilespmem:s0+$0xFFFFFF7C] =	vst v2;
	s1 =	simm.s32 $0xC61;
	v2 =	vadd.s32 s31, v0  }
0xf8: {  	s15 =	simm.s32 $0x420;
	[tilespmem:s0+$0xFFFFFF9D] =	vst v3;
	v3 =	vadd.s32 s1, v0  }
0xf9: {  	s16 =	simm.s32 $0x630;
	v6 =	vadd.s32 s15, v0;
	[tilespmem:s0+$0xFFFFFFBE] =	vst v5  }
0xfa: {  	s5 =	simm.s32 $0x210;
	[tilespmem:s0+$0xFFFFFFDF] =	vst v4;
	v4 =	vadd.s32 s16, v0  }
0xfb: {  	s15 =	simm.s32 $0xA50;
	v5 =	vadd.s32 s5, v0;
	[tilespmem:s0+$0xFFFFFF19] =	vst v1  }
0xfc: {  	s5 =	simm.s32 $0x840;
	v8 =	vadd.s32 s15, v0;
	v1 =	vld.idx.msk [tilespmem:v2+s14+$0x0], $0xffff  }
0xfd: {  	s13 =	simm.s32 $0x0;
	v7 =	vadd.s32 s5, v0;
	v3 =	vld.idx.msk [tilespmem:v3+s14+$0x0], $0xffff  }
0xfe: {  	s1 =	simm.s32 $0xE70;
	v2 =	vadd.s32 s13, v0;
	v6 =	vld.idx.msk [tilespmem:v6+s14+$0x0], $0xffff  }
0xff: {  	v11 =	vadd.s32 s1, v0;
	s16 =	simm.s32 $0xC60;
	v4 =	vld.idx.msk [tilespmem:v4+s14+$0x0], $0xffff  }
0x100: {  	s5 =	simm.s32 $0x1;
	v9 =	vadd.s32 s16, v0;
	s13 =	sand.u32 $0xC00, s30;
	v5 =	vld.idx.msk [tilespmem:v5+s14+$0x0], $0xffff  }
0x101: {  	v12 =	vadd.s32 s5, v0;
	s16 =	sand.u32 $0x300, s30;
	s0 =	sadd.s32 $0xE600, s13;
	s13 =	simm.s32 $0x421;
	v10 =	vld.idx.msk [tilespmem:v8+s14+$0x0], $0xffff  }
0x102: {  	s15 =	simm.s32 $0x211;
	s31 =	sadd.s32 s16, s0;
	v15 =	vadd.s32 s13, v0;
	v7 =	vld.idx.msk [tilespmem:v7+s14+$0x0], $0xffff  }
0x103: {  	v13 =	vadd.s32 s15, v0;
	s15 =	simm.s32 $0x631;
	v14 =	vld.idx.msk [tilespmem:v2+s14+$0x0], $0xffff;
	[tilespmem:s31+$0x20E0] =	vst v3  }
0x104: {  	v8 =	vld.idx.msk [tilespmem:v11+s14+$0x0], $0xffff;
	s13 =	simm.s32 $0x841;
	[tilespmem:s31+$0x2030] =	vst v4;
	v4 =	vadd.s32 s15, v0  }
0x105: {  	v9 =	vld.idx.msk [tilespmem:v9+s14+$0x0], $0xffff;
	[tilespmem:s31+$0x2020] =	vst v6;
	v3 =	vadd.s32 s13, v0;
	s15 =	simm.s32 $0xA51  }
0x106: {  	s16 =	simm.s32 $0x80;
	v6 =	vld.idx.msk [tilespmem:v12+s14+$0x0], $0xffff;
	[tilespmem:s31+$0x2010] =	vst v5;
	v2 =	vadd.s32 s15, v0  }
0x107: {  	s5 =	sand.u32 $0x380, s16;
	v5 =	vld.idx.msk [tilespmem:v15+s14+$0x0], $0xffff;
	[tilespmem:s31+$0x2040] =	vst v7  }
0x108: {  	s1 =	simm.s32 $0x0;
	v7 =	vld.idx.msk [tilespmem:v13+s14+$0x0], $0xffff;
	s15 =	sadd.s32 s5, s0;
	[tilespmem:s31+$0x2000] =	vst v14;
	s0 =	simm.s32 $0xE73  }
.LBB2_13:
0x109: {  	s5 =	sadd.s32 $0xFFFFF39F, s0;
	s13 =	sadd.s32 $0xFFFFFDF0, s0;
	v11 =	vadd.s32 s0, v0;
	s1 =	sadd.s32 $0x10, s1;
	[tilespmem:s31+$0x2050] =	vst v10;
	v10 =	vld.idx.msk [tilespmem:v4+s14+$0x0], $0xffff  }
0x10a: {  	s16 =	sadd.s32 $0xFFFFF7BF, s0;
	v12 =	vadd.s32 s5, v0;
	s5 =	sadd.s32 $0xFFFFF5AF, s0;
	v13 =	vadd.s32 s13, v0;
	p0 =	slt.u32 s1, $0xF0;
	[tilespmem:s31+$0x2060] =	vst v9;
	v9 =	vld.idx.msk [tilespmem:v3+s14+$0x0], $0xffff  }
0x10b: {  	v15 =	vadd.s32 s16, v0;
	s13 =	sadd.s32 $0xFFFFFBDF, s0;
	s16 =	sadd.s32 $0xFFFFFDEF, s0;
	v14 =	vadd.s32 s5, v0;
	s5 =	sadd.s32 $0xFFFFF9CF, s0;
	[tilespmem:s31+$0x2070] =	vst v8;
	v8 =	vld.idx.msk [tilespmem:v2+s14+$0x0], $0xffff  }
0x10c: {  	v17 =	vadd.s32 s13, v0;
	v18 =	vadd.s32 s16, v0;
	s13 =	sadd.s32 $0xFFFFF190, s0;
	s16 =	sadd.s32 $0xFFFFF3A0, s0;
	v16 =	vadd.s32 s5, v0;
	s5 =	sadd.s32 $0xFFFFFFFF, s0;
	[tilespmem:s15+$0x2000] =	vst v6  }
0x10d: {  	v19 =	vadd.s32 s13, v0;
	v20 =	vadd.s32 s16, v0;
	s13 =	sadd.s32 $0xFFFFF7C0, s0;
	s15 =	sadd.s32 $0xFFFFF9D0, s0;
	v6 =	vadd.s32 s5, v0;
	s5 =	sadd.s32 $0xFFFFF5B0, s0;
	[tilespmem:s31+$0x2090] =	vst v7  }
0x10e: {  	s16 =	sadd.s32 $0xFFFFF18F, s0;
	v4 =	vadd.s32 s13, v0;
	v3 =	vadd.s32 s15, v0;
	v21 =	vadd.s32 s5, v0;
	s5 =	sadd.s32 $0xFFFFFBE0, s0;
	v7 =	vld.idx.msk [tilespmem:v11+s14+$0x0], $0xffff  }
0x10f: {  	v11 =	vadd.s32 s16, v0;
	v2 =	vadd.s32 s5, v0;
	v13 =	vld.idx.msk [tilespmem:v13+s14+$0x0], $0xffff;
	[tilespmem:s31+$0x20A0] =	vst v5  }
0x110: {  	v5 =	vld.idx.msk [tilespmem:v12+s14+$0x0], $0xffff;
	[tilespmem:s31+$0x20B0] =	vst v10  }
0x111: {  	s30 =	sadd.s32 $0x100, s30;
	v12 =	vld.idx.msk [tilespmem:v14+s14+$0x0], $0xffff;
	[tilespmem:s31+$0x20C0] =	vst v9  }
0x112: {  	s13 =	sadd.s32 $0x80, s30;
	s5 =	sand.u32 $0xC00, s30;
	v14 =	vld.idx.msk [tilespmem:v15+s14+$0x0], $0xffff;
	[tilespmem:s31+$0x20D0] =	vst v8  }
0x113: {  	s15 =	sand.u32 $0x300, s30;
	s13 =	sand.u32 $0x380, s13;
	s5 =	sadd.s32 $0xE600, s5;
	v15 =	vld.idx.msk [tilespmem:v16+s14+$0x0], $0xffff;
	[tilespmem:s31+$0x20F0] =	vst v1  }
0x114: {  	s31 =	sadd.s32 s15, s5;
	s15 =	sadd.s32 s13, s5;
	v1 =	vmov v7;
	v11 =	vld.idx.msk [tilespmem:v11+s14+$0x0], $0xffff  }
0x115: {  	v10 =	vld.idx.msk [tilespmem:v17+s14+$0x0], $0xffff;
	[tilespmem:s31+$0x20E0] =	vst v13  }
.Ltmp5:
0x116: {  	[tilespmem:s31+$0x2010] =	vst v5;
	v9 =	vld.idx.msk [tilespmem:v18+s14+$0x0], $0xffff;
	(pc) =	sbr.rel @p0 .LBB2_13-.Ltmp5, $4  }
0x117: {  	[tilespmem:s31+$0x2020] =	vst v12;
	v8 =	vld.idx.msk [tilespmem:v6+s14+$0x0], $0xffff  }
0x118: {  	[tilespmem:s31+$0x2030] =	vst v14;
	v6 =	vld.idx.msk [tilespmem:v19+s14+$0x0], $0xffff  }
0x119: {  	[tilespmem:s31+$0x2040] =	vst v15;
	v7 =	vld.idx.msk [tilespmem:v20+s14+$0x0], $0xffff  }
0x11a: {  	s0 =	sadd.s32 $0x2, s0;
	[tilespmem:s31+$0x2000] =	vst v11;
	v5 =	vld.idx.msk [tilespmem:v21+s14+$0x0], $0xffff  }
0x11b: {  	_ =	sdelay $0x1  }
0x11c: {  	[tilespmem:s31+$0x2050] =	vst v10  }
0x11d: {  	[tilespmem:s31+$0x2060] =	vst v9  }
0x11e: {  	v4 =	vld.idx.msk [tilespmem:v4+s14+$0x0], $0xffff;
	[tilespmem:s31+$0x20F0] =	vst v1  }
0x11f: {  	v3 =	vld.idx.msk [tilespmem:v3+s14+$0x0], $0xffff;
	[tilespmem:s31+$0x2070] =	vst v8  }
0x120: {  	v2 =	vld.idx.msk [tilespmem:v2+s14+$0x0], $0xffff;
	[tilespmem:s15+$0x2000] =	vst v6  }
0x121: {  	[tilespmem:s31+$0x2090] =	vst v7  }
0x122: {  	[tilespmem:s31+$0x20A0] =	vst v5  }
0x123: {  	s0 =	sor.u32 s11, s28;
	[tilespmem:s31+$0x20B0] =	vst v4  }
0x124: {  	s0 =	sshrl.u32 s0, $0x3;
	[tilespmem:s31+$0x20C0] =	vst v3  }
0x125: {  	s5 =	simm.s32 $0x10600;
	s1 =	sadd.s32 s2, s0;
	[tilespmem:s31+$0x20D0] =	vst v2  }
0x126: {  	[hbm4b:s1+s3] =	stream.linear.scatter [tilespmem:s5], [sflag:$0x2], $0x400, $0x38;
	[tilespmem:$0x12600] =	vst v63  }
0x127: {  	s5 =	sor.u32 $0x4000, s0  }
0x128: {  	s13 =	simm.s32 $0x10A00;
	s15 =	sor.u32 $0x8000, s0;
	s1 =	sadd.s32 s2, s5  }
0x129: {  	[hbm4b:s1+s3] =	stream.linear.scatter [tilespmem:s13], [sflag:$0x2], $0x400, $0x38;
	[tilespmem:$0x12600] =	vst v63  }
0x12a: {  	s16 =	simm.s32 $0x10E00;
	s0 =	sor.u32 $0xC000, s0;
	s1 =	sadd.s32 s2, s15  }
0x12b: {  	[hbm4b:s1+s3] =	stream.linear.scatter [tilespmem:s16], [sflag:$0x2], $0x400, $0x38;
	[tilespmem:$0x12600] =	vst v63  }
0x12c: {  	s30 =	simm.s32 $0x11200;
	s0 =	sadd.s32 s2, s0  }
0x12d: {  	[hbm4b:s0+s3] =	stream.linear.scatter [tilespmem:s30], [sflag:$0x2], $0x400, $0x38;
	[tilespmem:$0x12600] =	vst v63  }
0x12e: {  	_ =	swait.ge [sflag:s22], $0x1000  }
0x12f: {  	[sflag:s22] =	ssyncset.done $0x0  }
0x130: {  	s31 =	simm.s32 $0x94F0;
	[sflag:s22] =	ssyncadd.s32 $0xFFFFF000  }
0x131: {  	v1 =	vld [tilespmem:s31+$0xFFFFFFF0]  }
0x132: {  	v2 =	vld [tilespmem:s31+$0xFFFFFF30]  }
0x133: {  	v3 =	vld [tilespmem:s31+$0xFFFFFF50]  }
0x134: {  	v4 =	vld [tilespmem:s31+$0xFFFFFF70]  }
0x135: {  	s0 =	simm.s32 $0xD677;
	v5 =	vld [tilespmem:s31+$0xFFFFFF90]  }
0x136: {  	v6 =	vld [tilespmem:s31+$0xFFFFFFB0];
	[tilespmem:s0+$0xFFFFFFF0] =	vst v1  }
0x137: {  	v7 =	vld [tilespmem:s31+$0xFFFFFFD0];
	[tilespmem:s0+$0xFFFFFF2A] =	vst v2  }
0x138: {  	v62 =	vld [tilespmem:s31+$0xFFFFFF10];
	[tilespmem:s0+$0xFFFFFF4B] =	vst v3  }
0x139: {  	[tilespmem:s0+$0xFFFFFF6C] =	vst v4;
	v1 =	vld [tilespmem:s31+$0x0]  }
0x13a: {  	[tilespmem:s0+$0xFFFFFF8D] =	vst v5;
	v4 =	vld [tilespmem:s31+$0xFFFFFF40]  }
0x13b: {  	[tilespmem:s0+$0xFFFFFFAE] =	vst v6;
	v63 =	vld [tilespmem:s31+$0xFFFFFF60]  }
0x13c: {  	[tilespmem:s0+$0xFFFFFFCF] =	vst v7;
	v2 =	vld [tilespmem:s31+$0xFFFFFF80]  }
0x13d: {  	[tilespmem:s0+$0xFFFFFF09] =	vst v62;
	v3 =	vld [tilespmem:s31+$0xFFFFFFA0]  }
0x13e: {  	v5 =	vld [tilespmem:s31+$0xFFFFFFC0];
	[tilespmem:s0+$0x0] =	vst v1  }
0x13f: {  	v1 =	vld [tilespmem:s31+$0xFFFFFF20];
	[tilespmem:s0+$0xFFFFFF3A] =	vst v4  }
0x140: {  	s15 =	simm.s32 $0x95F0;
	s1 =	simm.s32 $0x0;
	[tilespmem:s0+$0xFFFFFF5B] =	vst v63;
	v4 =	vld [tilespmem:s31+$0xFFFFFFE0]  }
.LBB2_15:
0x141: {  	v6 =	vld [tilespmem:s15+$0xFFFFFFF0];
	s1 =	sadd.s32 $0x8, s1;
	[tilespmem:s0+$0xFFFFFF7C] =	vst v2  }
0x142: {  	v2 =	vld [tilespmem:s15+$0xFFFFFF30];
	p0 =	slt.u32 s1, $0x78;
	[tilespmem:s0+$0xFFFFFF9D] =	vst v3  }
0x143: {  	v3 =	vld [tilespmem:s15+$0xFFFFFF50];
	[tilespmem:s0+$0xFFFFFFBE] =	vst v5  }
0x144: {  	v5 =	vld [tilespmem:s15+$0xFFFFFF70];
	[tilespmem:s0+$0xFFFFFF19] =	vst v1  }
0x145: {  	v1 =	vld [tilespmem:s15+$0xFFFFFF90];
	[tilespmem:s0+$0xFFFFFFDF] =	vst v4;
	s0 =	sadd.s32 $0x108, s0  }
0x146: {  	v4 =	vld [tilespmem:s15+$0xFFFFFFB0];
	[tilespmem:s0+$0xFFFFFFF0] =	vst v6  }
0x147: {  	[tilespmem:s0+$0xFFFFFF2A] =	vst v2;
	v6 =	vld [tilespmem:s15+$0x0]  }
0x148: {  	[tilespmem:s0+$0xFFFFFF4B] =	vst v3;
	v7 =	vld [tilespmem:s15+$0xFFFFFFD0]  }
0x149: {  	v8 =	vld [tilespmem:s15+$0xFFFFFF10];
	[tilespmem:s0+$0xFFFFFF6C] =	vst v5  }
0x14a: {  	v9 =	vld [tilespmem:s15+$0xFFFFFF40];
	[tilespmem:s0+$0xFFFFFF8D] =	vst v1  }
0x14b: {  	v10 =	vld [tilespmem:s15+$0xFFFFFF60];
	[tilespmem:s0+$0xFFFFFFAE] =	vst v4  }
.Ltmp6:
0x14c: {  	s30 =	simm.s32 $0x0;
	s31 =	simm.s32 $0xE71;
	v2 =	vld [tilespmem:s15+$0xFFFFFF80];
	[tilespmem:s0+$0x0] =	vst v6;
	(pc) =	sbr.rel @p0 .LBB2_15-.Ltmp6, $4  }
0x14d: {  	v3 =	vld [tilespmem:s15+$0xFFFFFFA0];
	[tilespmem:s0+$0xFFFFFFCF] =	vst v7  }
0x14e: {  	[tilespmem:s0+$0xFFFFFF09] =	vst v8;
	v5 =	vld [tilespmem:s15+$0xFFFFFFC0]  }
0x14f: {  	v1 =	vld [tilespmem:s15+$0xFFFFFF20];
	[tilespmem:s0+$0xFFFFFF3A] =	vst v9  }
0x150: {  	[tilespmem:s0+$0xFFFFFF5B] =	vst v10;
	v4 =	vld [tilespmem:s15+$0xFFFFFFE0];
	s15 =	sadd.s32 $0x100, s15  }
0x151: {  	_ = 	snop  }
0x152: {  	[tilespmem:s0+$0xFFFFFF7C] =	vst v2;
	s1 =	simm.s32 $0xC61;
	v2 =	vadd.s32 s31, v0  }
0x153: {  	s15 =	simm.s32 $0x420;
	[tilespmem:s0+$0xFFFFFF9D] =	vst v3;
	v3 =	vadd.s32 s1, v0  }
0x154: {  	s16 =	simm.s32 $0x630;
	v6 =	vadd.s32 s15, v0;
	[tilespmem:s0+$0xFFFFFFBE] =	vst v5  }
0x155: {  	s5 =	simm.s32 $0x210;
	[tilespmem:s0+$0xFFFFFFDF] =	vst v4;
	v4 =	vadd.s32 s16, v0  }
0x156: {  	s15 =	simm.s32 $0xA50;
	v5 =	vadd.s32 s5, v0;
	[tilespmem:s0+$0xFFFFFF19] =	vst v1  }
0x157: {  	s5 =	simm.s32 $0x840;
	v8 =	vadd.s32 s15, v0;
	v1 =	vld.idx.msk [tilespmem:v2+s18+$0x0], $0xffff  }
0x158: {  	s13 =	simm.s32 $0x0;
	v7 =	vadd.s32 s5, v0;
	v3 =	vld.idx.msk [tilespmem:v3+s18+$0x0], $0xffff  }
0x159: {  	s1 =	simm.s32 $0xE70;
	v2 =	vadd.s32 s13, v0;
	v6 =	vld.idx.msk [tilespmem:v6+s18+$0x0], $0xffff  }
0x15a: {  	v11 =	vadd.s32 s1, v0;
	s16 =	simm.s32 $0xC60;
	v4 =	vld.idx.msk [tilespmem:v4+s18+$0x0], $0xffff  }
0x15b: {  	s5 =	simm.s32 $0x1;
	v9 =	vadd.s32 s16, v0;
	s13 =	sand.u32 $0xC00, s30;
	v5 =	vld.idx.msk [tilespmem:v5+s18+$0x0], $0xffff  }
0x15c: {  	v12 =	vadd.s32 s5, v0;
	s16 =	sand.u32 $0x300, s30;
	s0 =	sadd.s32 $0xE600, s13;
	s13 =	simm.s32 $0x421;
	v10 =	vld.idx.msk [tilespmem:v8+s18+$0x0], $0xffff  }
0x15d: {  	s15 =	simm.s32 $0x211;
	s31 =	sadd.s32 s16, s0;
	v15 =	vadd.s32 s13, v0;
	v7 =	vld.idx.msk [tilespmem:v7+s18+$0x0], $0xffff  }
0x15e: {  	v13 =	vadd.s32 s15, v0;
	s15 =	simm.s32 $0x631;
	v14 =	vld.idx.msk [tilespmem:v2+s18+$0x0], $0xffff;
	[tilespmem:s31+$0x30E0] =	vst v3  }
0x15f: {  	v8 =	vld.idx.msk [tilespmem:v11+s18+$0x0], $0xffff;
	s13 =	simm.s32 $0x841;
	[tilespmem:s31+$0x3030] =	vst v4;
	v4 =	vadd.s32 s15, v0  }
0x160: {  	v9 =	vld.idx.msk [tilespmem:v9+s18+$0x0], $0xffff;
	[tilespmem:s31+$0x3020] =	vst v6;
	v3 =	vadd.s32 s13, v0;
	s15 =	simm.s32 $0xA51  }
0x161: {  	s16 =	simm.s32 $0x80;
	v6 =	vld.idx.msk [tilespmem:v12+s18+$0x0], $0xffff;
	[tilespmem:s31+$0x3010] =	vst v5;
	v2 =	vadd.s32 s15, v0  }
0x162: {  	s5 =	sand.u32 $0x380, s16;
	v5 =	vld.idx.msk [tilespmem:v15+s18+$0x0], $0xffff;
	[tilespmem:s31+$0x3040] =	vst v7  }
0x163: {  	s1 =	simm.s32 $0x0;
	v7 =	vld.idx.msk [tilespmem:v13+s18+$0x0], $0xffff;
	s15 =	sadd.s32 s5, s0;
	[tilespmem:s31+$0x3000] =	vst v14;
	s0 =	simm.s32 $0xE73  }
.LBB2_17:
0x164: {  	s5 =	sadd.s32 $0xFFFFF39F, s0;
	s13 =	sadd.s32 $0xFFFFFDF0, s0;
	v11 =	vadd.s32 s0, v0;
	s1 =	sadd.s32 $0x10, s1;
	[tilespmem:s31+$0x3050] =	vst v10;
	v10 =	vld.idx.msk [tilespmem:v4+s18+$0x0], $0xffff  }
0x165: {  	s16 =	sadd.s32 $0xFFFFF7BF, s0;
	v12 =	vadd.s32 s5, v0;
	s5 =	sadd.s32 $0xFFFFF5AF, s0;
	v13 =	vadd.s32 s13, v0;
	p0 =	slt.u32 s1, $0xF0;
	[tilespmem:s31+$0x3060] =	vst v9;
	v9 =	vld.idx.msk [tilespmem:v3+s18+$0x0], $0xffff  }
0x166: {  	v15 =	vadd.s32 s16, v0;
	s13 =	sadd.s32 $0xFFFFFBDF, s0;
	s16 =	sadd.s32 $0xFFFFFDEF, s0;
	v14 =	vadd.s32 s5, v0;
	s5 =	sadd.s32 $0xFFFFF9CF, s0;
	[tilespmem:s31+$0x3070] =	vst v8;
	v8 =	vld.idx.msk [tilespmem:v2+s18+$0x0], $0xffff  }
0x167: {  	v17 =	vadd.s32 s13, v0;
	v18 =	vadd.s32 s16, v0;
	s13 =	sadd.s32 $0xFFFFF190, s0;
	s16 =	sadd.s32 $0xFFFFF3A0, s0;
	v16 =	vadd.s32 s5, v0;
	s5 =	sadd.s32 $0xFFFFFFFF, s0;
	[tilespmem:s15+$0x3000] =	vst v6  }
0x168: {  	v19 =	vadd.s32 s13, v0;
	v20 =	vadd.s32 s16, v0;
	s13 =	sadd.s32 $0xFFFFF7C0, s0;
	s15 =	sadd.s32 $0xFFFFF9D0, s0;
	v6 =	vadd.s32 s5, v0;
	s5 =	sadd.s32 $0xFFFFF5B0, s0;
	[tilespmem:s31+$0x3090] =	vst v7  }
0x169: {  	s16 =	sadd.s32 $0xFFFFF18F, s0;
	v4 =	vadd.s32 s13, v0;
	v3 =	vadd.s32 s15, v0;
	v21 =	vadd.s32 s5, v0;
	s5 =	sadd.s32 $0xFFFFFBE0, s0;
	v7 =	vld.idx.msk [tilespmem:v11+s18+$0x0], $0xffff  }
0x16a: {  	v11 =	vadd.s32 s16, v0;
	v2 =	vadd.s32 s5, v0;
	v13 =	vld.idx.msk [tilespmem:v13+s18+$0x0], $0xffff;
	[tilespmem:s31+$0x30A0] =	vst v5  }
0x16b: {  	v5 =	vld.idx.msk [tilespmem:v12+s18+$0x0], $0xffff;
	[tilespmem:s31+$0x30B0] =	vst v10  }
0x16c: {  	s30 =	sadd.s32 $0x100, s30;
	v12 =	vld.idx.msk [tilespmem:v14+s18+$0x0], $0xffff;
	[tilespmem:s31+$0x30C0] =	vst v9  }
0x16d: {  	s13 =	sadd.s32 $0x80, s30;
	s5 =	sand.u32 $0xC00, s30;
	v14 =	vld.idx.msk [tilespmem:v15+s18+$0x0], $0xffff;
	[tilespmem:s31+$0x30D0] =	vst v8  }
0x16e: {  	s15 =	sand.u32 $0x300, s30;
	s13 =	sand.u32 $0x380, s13;
	s5 =	sadd.s32 $0xE600, s5;
	v15 =	vld.idx.msk [tilespmem:v16+s18+$0x0], $0xffff;
	[tilespmem:s31+$0x30F0] =	vst v1  }
0x16f: {  	s31 =	sadd.s32 s15, s5;
	s15 =	sadd.s32 s13, s5;
	v1 =	vmov v7;
	v11 =	vld.idx.msk [tilespmem:v11+s18+$0x0], $0xffff  }
0x170: {  	v10 =	vld.idx.msk [tilespmem:v17+s18+$0x0], $0xffff;
	[tilespmem:s31+$0x30E0] =	vst v13  }
.Ltmp7:
0x171: {  	[tilespmem:s31+$0x3010] =	vst v5;
	v9 =	vld.idx.msk [tilespmem:v18+s18+$0x0], $0xffff;
	(pc) =	sbr.rel @p0 .LBB2_17-.Ltmp7, $4  }
0x172: {  	[tilespmem:s31+$0x3020] =	vst v12;
	v8 =	vld.idx.msk [tilespmem:v6+s18+$0x0], $0xffff  }
0x173: {  	[tilespmem:s31+$0x3030] =	vst v14;
	v6 =	vld.idx.msk [tilespmem:v19+s18+$0x0], $0xffff  }
0x174: {  	[tilespmem:s31+$0x3040] =	vst v15;
	v7 =	vld.idx.msk [tilespmem:v20+s18+$0x0], $0xffff  }
0x175: {  	s0 =	sadd.s32 $0x2, s0;
	[tilespmem:s31+$0x3000] =	vst v11;
	v5 =	vld.idx.msk [tilespmem:v21+s18+$0x0], $0xffff  }
0x176: {  	_ =	sdelay $0x1  }
0x177: {  	[tilespmem:s31+$0x3050] =	vst v10  }
0x178: {  	[tilespmem:s31+$0x3060] =	vst v9  }
0x179: {  	v4 =	vld.idx.msk [tilespmem:v4+s18+$0x0], $0xffff;
	[tilespmem:s31+$0x30F0] =	vst v1  }
0x17a: {  	v3 =	vld.idx.msk [tilespmem:v3+s18+$0x0], $0xffff;
	[tilespmem:s31+$0x3070] =	vst v8  }
0x17b: {  	v2 =	vld.idx.msk [tilespmem:v2+s18+$0x0], $0xffff;
	[tilespmem:s15+$0x3000] =	vst v6  }
0x17c: {  	[tilespmem:s31+$0x3090] =	vst v7  }
0x17d: {  	[tilespmem:s31+$0x30A0] =	vst v5  }
0x17e: {  	s0 =	sor.u32 s12, s28;
	[tilespmem:s31+$0x30B0] =	vst v4  }
0x17f: {  	s0 =	sshrl.u32 s0, $0x3;
	[tilespmem:s31+$0x30C0] =	vst v3  }
0x180: {  	s1 =	sadd.s32 s2, s0;
	s30 =	sor.u32 $0x4000, s0;
	[tilespmem:s31+$0x30D0] =	vst v2  }
0x181: {  	[hbm4b:s1+s3] =	stream.linear.scatter [tilespmem:s19], [sflag:$0x2], $0x400, $0x38;
	[tilespmem:$0x12600] =	vst v63  }
0x182: {  	s31 =	sor.u32 $0x8000, s0;
	s1 =	sadd.s32 s2, s30  }
0x183: {  	[hbm4b:s1+s3] =	stream.linear.scatter [tilespmem:s20], [sflag:$0x2], $0x400, $0x38;
	[tilespmem:$0x12600] =	vst v63  }
0x184: {  	s0 =	sor.u32 $0xC000, s0;
	s1 =	sadd.s32 s2, s31  }
0x185: {  	[hbm4b:s1+s3] =	stream.linear.scatter [tilespmem:s21], [sflag:$0x2], $0x400, $0x38;
	[tilespmem:$0x12600] =	vst v63  }
0x186: {  	s0 =	sadd.s32 s2, s0  }
0x187: {  	[hbm4b:s0+s3] =	stream.linear.scatter [tilespmem:s24], [sflag:$0x2], $0x400, $0x38;
	[tilespmem:$0x12600] =	vst v63  }
0x188: {  	_ =	swait.ge [sflag:s25], $0x400  }
0x189: {  	[sflag:s25] =	ssyncset.done $0x0  }
0x18a: {  	[sflag:s25] =	ssyncadd.s32 $0xFFFFFC00  }
0x18b: {  	_ =	swait.ge [sflag:s25], $0x400  }
0x18c: {  	[sflag:s25] =	ssyncset.done $0x0  }
0x18d: {  	[sflag:s25] =	ssyncadd.s32 $0xFFFFFC00  }
0x18e: {  	_ =	swait.ge [sflag:s25], $0x400  }
0x18f: {  	[sflag:s25] =	ssyncset.done $0x0  }
0x190: {  	[sflag:s25] =	ssyncadd.s32 $0xFFFFFC00  }
0x191: {  	_ =	swait.ge [sflag:s25], $0x400  }
0x192: {  	[sflag:s25] =	ssyncset.done $0x0  }
0x193: {  	[sflag:s25] =	ssyncadd.s32 $0xFFFFFC00  }
0x194: {  	_ =	swait.ge [sflag:s25], $0x400  }
0x195: {  	[sflag:s25] =	ssyncset.done $0x0  }
0x196: {  	[sflag:s25] =	ssyncadd.s32 $0xFFFFFC00  }
0x197: {  	_ =	swait.ge [sflag:s25], $0x400  }
0x198: {  	[sflag:s25] =	ssyncset.done $0x0  }
0x199: {  	[sflag:s25] =	ssyncadd.s32 $0xFFFFFC00  }
0x19a: {  	_ =	swait.ge [sflag:s25], $0x400  }
0x19b: {  	[sflag:s25] =	ssyncset.done $0x0  }
0x19c: {  	[sflag:s25] =	ssyncadd.s32 $0xFFFFFC00  }
0x19d: {  	_ =	swait.ge [sflag:s25], $0x400  }
0x19e: {  	[sflag:s25] =	ssyncset.done $0x0  }
0x19f: {  	[sflag:s25] =	ssyncadd.s32 $0xFFFFFC00  }
0x1a0: {  	_ =	swait.ge [sflag:s25], $0x400  }
0x1a1: {  	[sflag:s25] =	ssyncset.done $0x0  }
0x1a2: {  	[sflag:s25] =	ssyncadd.s32 $0xFFFFFC00  }
0x1a3: {  	_ =	swait.ge [sflag:s25], $0x400  }
0x1a4: {  	[sflag:s25] =	ssyncset.done $0x0  }
0x1a5: {  	[sflag:s25] =	ssyncadd.s32 $0xFFFFFC00  }
0x1a6: {  	_ =	swait.ge [sflag:s25], $0x400  }
0x1a7: {  	[sflag:s25] =	ssyncset.done $0x0  }
0x1a8: {  	[sflag:s25] =	ssyncadd.s32 $0xFFFFFC00  }
0x1a9: {  	_ =	swait.ge [sflag:s25], $0x400  }
0x1aa: {  	[sflag:s25] =	ssyncset.done $0x0  }
0x1ab: {  	[sflag:s25] =	ssyncadd.s32 $0xFFFFFC00  }
0x1ac: {  	_ =	swait.ge [sflag:s25], $0x400  }
0x1ad: {  	[sflag:s25] =	ssyncset.done $0x0  }
0x1ae: {  	[sflag:s25] =	ssyncadd.s32 $0xFFFFFC00  }
0x1af: {  	_ =	swait.ge [sflag:s25], $0x400  }
0x1b0: {  	[sflag:s25] =	ssyncset.done $0x0  }
0x1b1: {  	s26 =	sadd.s32 $0x1, s26;
	[sflag:s25] =	ssyncadd.s32 $0xFFFFFC00  }
0x1b2: {  	p0 =	sne.s32 s26, $0x32;
	_ =	swait.ge [sflag:s25], $0x400  }
.Ltmp8:
0x1b3: {  	[sflag:s25] =	ssyncset.done $0x0;
	(pc) =	sbr.rel @p0 .LBB2_2-.Ltmp8, $4  }
0x1b4: {  	[sflag:s25] =	ssyncadd.s32 $0xFFFFFC00  }
0x1b5: {  	_ =	swait.ge [sflag:s25], $0x400  }
0x1b6: {  	[sflag:s25] =	ssyncset.done $0x0  }
0x1b7: {  	[sflag:s25] =	ssyncadd.s32 $0xFFFFFC00  }
0x1b8: {  	s1 =	rddreg [dreg:$0x5]  }
0x1b9: {  	s0 =	rddreg [dreg:$0x4];
	s1 =	sadd.s32 $0x1, s1  }
0x1ba: {  	p0 =	sne.s32 s1, s0  }
.Ltmp9:
0x1bb: {  	_ = 	snop;
	(pc) =	sbr.rel @p0 .LBB2_1-.Ltmp9, $1  }
0x1bc: {  	_ =	sdelay $0x3  }
0x1bd: {  	_ =	sfence.sel $0x180000  }
0x1be: {  	[bflag:$0x0] =	sbarrier.arrive $0xFFFF  }
0x1bf: {  	_ =	strace $0x90000047  }
0x1c0: {  	s0 =	stileid.u32;
	[bflag:$0x2] =	sbarrier.arrive $0xFFFF  }
0x1c1: {  	p0 =	sne.s32 s0, $0x0;
	s0 =	rddreg [dreg:$0x2]  }
0x1c2: {  	s0 =	sadd.s32 @!p0 $0x100000, s0  }
0x1c3: {  	[sflag:s0] =	ssyncadd.tile.s32 @!p0 $0x1;
	_ =	shalt  }
.Lfunc_end2:
_tile_overlayer_lowered:
.L_overlay_start_2:
0x1c4: {  	(tag) =	ssettag $0x2  }
0x1c5: {  	s0 =	rddreg [dreg:$0x0];
	s2 =	stileid.u32  }
0x1c6: {  	s1 =	rddreg [dreg:$0x1];
	p0 =	sne.s32 s2, $0x0  }
0x1c7: {  	s3 =	rddreg [dreg:$0x2];
	[bflag:$0x3] =	sbarrier.arrive $0xFFFF;
	s2 =	simm.s32 @!p0 $0x1C03  }
0x1c8: {  	[timem:s3], [sflag:s2] =	dma.local @!p0 [hbm:s0], s1  }
0x1c9: {  	s0 =	simm.s32 @!p0 $0x3  }
0x1ca: {  	_ =	swait.ge @!p0 [sflag:s0], s1  }
0x1cb: {  	s1 =	ssub.s32 @!p0 $0x0, s1;
	[sflag:s0] =	ssyncset.done @!p0 $0x0  }
0x1cc: {  	[sflag:s0] =	ssyncadd.s32 @!p0 s1  }
0x1cd: {  	[bflag:$0x3] =	sbarrier.arrive $0xFFFF  }
0x1ce: {  	_ =	shalt  }

</sc_bundles>
